<compile_context>
chip_gen: v7x
topology: tpu7x:2x2x1
jax: 0.10.2.dev20260603
libtpu: 0.0.44.dev20260713+nightly
codegen_flags: <defaults>
</compile_context>

<pallas_src>
import functools

import jax
import jax.numpy as jnp
from jax import lax
from jax.experimental import pallas as pl
from jax.experimental.pallas import tpu as pltpu
from jax.experimental.pallas import tpu_sc as plsc

_V = 100000
_F = 100000
_E = 3200000
_ALPHA = 0.4
_MAX_COEFF = 10.0

_NC = 2
_NS = 16
_NW = _NC * _NS
_LANES = 16

_C = 800
_EPW = _E // _NW
_NFULL = _EPW // _C
_NPAIR = (_NFULL - 1) // 2

_F_PAD = 100352
_SLICE = _F_PAD // _NS
_ZB = _SLICE // 2
_ROWS = _F_PAD // 128


def _sc_body(vp_hbm, vidx_hbm, fidx_hbm, ef_hbm, coeff_hbm,
             nom_out, den_out,
             vp_v, vidx0, vidx1, fidx0, fidx1, ef0, ef1,
             nomv0, nomv1, denv0, denv1, fsc0, fsc1, coeff_v, zbuf,
             spn, spd, sin0, sin1, ssn0, ssn1, ssd0, ssd1):
    cid = lax.axis_index("c")
    sid = lax.axis_index("s")
    wid = cid * _NS + sid
    base = wid * _EPW

    vin = (vidx0, vidx1)
    fin = (fidx0, fidx1)
    ein = (ef0, ef1)
    nomv = (nomv0, nomv1)
    denv = (denv0, denv1)
    fsc = (fsc0, fsc1)
    sin = (sin0, sin1)
    ssn = (ssn0, ssn1)
    ssd = (ssd0, ssd1)

    tbl = pltpu.async_copy(vp_hbm, vp_v, ssn0)
    pltpu.sync_copy(coeff_hbm, coeff_v)

    def _zero(i, _):
        zbuf[pl.ds(i * _LANES, _LANES)] = jnp.zeros((_LANES,), jnp.float32)
        return 0
    lax.fori_loop(0, _ZB // _LANES, _zero, 0)
    for t in range(2):
        dst = pl.ds(sid * _SLICE + t * _ZB, _ZB)
        pltpu.sync_copy(zbuf, spn.at[dst])
        pltpu.sync_copy(zbuf, spd.at[dst])
    tbl.wait()
    plsc.subcore_barrier()

    coeff = coeff_v[...]

    def _in_descs(off, b):
        return (
            pltpu.make_async_copy(vidx_hbm.at[pl.ds(off, _C)], vin[b], sin[b]),
            pltpu.make_async_copy(fidx_hbm.at[pl.ds(off, _C)], fin[b], sin[b]),
            pltpu.make_async_copy(ef_hbm.at[pl.ds(off, _C)], ein[b], sin[b]),
        )

    def _sc_descs(b):
        return (
            pltpu.make_async_copy(nomv[b], spn.at[fsc[b]], ssn[b]),
            pltpu.make_async_copy(denv[b], spd.at[fsc[b]], ssd[b]),
        )

    def _compute(b):
        def _one(j):
            s = pl.ds(j * _LANES, _LANES)
            idx = vin[b][s]
            f = fin[b][s]
            e = ein[b][s]
            v = plsc.load_gather(vp_v, [idx])
            ev = e * v + (0.5 - 0.5 * e)
            w = jnp.exp(coeff * ev)
            nomv[b][s] = w * ev
            denv[b][s] = w
            fsc[b][s] = f

        def _vec(j, _):
            _one(2 * j)
            _one(2 * j + 1)
            return 0
        lax.fori_loop(0, _C // (2 * _LANES), _vec, 0)

    for d in _in_descs(pl.multiple_of(base, _C), 0):
        d.start()

    def _pair(k, _):
        for b in (0, 1):
            i = 2 * k + b
            off = pl.multiple_of(base + i * _C, _C)
            for d in _in_descs(off + _C, 1 - b):
                d.start()
            @pl.when(k >= 1)
            def _():
                for d in _sc_descs(b):
                    d.wait()
            for d in _in_descs(off, b):
                d.wait()
            _compute(b)
            pltpu.async_copy(nomv[b], spn.at[fsc[b]], ssn[b], add=True)
            pltpu.async_copy(denv[b], spd.at[fsc[b]], ssd[b], add=True)
        return 0
    lax.fori_loop(0, _NPAIR, _pair, 0)

    off = pl.multiple_of(base + 2 * _NPAIR * _C, _C)
    for d in _sc_descs(0):
        d.wait()
    for d in _in_descs(off, 0):
        d.wait()
    _compute(0)
    pltpu.async_copy(nomv[0], spn.at[fsc[0]], ssn[0], add=True)
    pltpu.async_copy(denv[0], spd.at[fsc[0]], ssd[0], add=True)

    for b in (1, 0):
        for d in _sc_descs(b):
            d.wait()

    plsc.subcore_barrier()

    src = pl.ds(sid * _SLICE, _SLICE)
    dst = pl.ds(cid * _F_PAD + sid * _SLICE, _SLICE)
    pltpu.sync_copy(spn.at[src], nom_out.at[dst])
    pltpu.sync_copy(spd.at[src], den_out.at[dst])


@functools.lru_cache(maxsize=None)
def _build_sc_segment():
  return pl.kernel(
    _sc_body,
    out_type=(
        jax.ShapeDtypeStruct((_NC * _F_PAD,), jnp.float32),
        jax.ShapeDtypeStruct((_NC * _F_PAD,), jnp.float32),
    ),
    mesh=plsc.VectorSubcoreMesh(
        core_axis_name="c", subcore_axis_name="s",
        num_cores=_NC, num_subcores=_NS),
    compiler_params=pltpu.CompilerParams(needs_layout_passes=False),
    scratch_types=(
        pltpu.VMEM((_V,), jnp.float32),
        pltpu.VMEM((_C,), jnp.int32),
        pltpu.VMEM((_C,), jnp.int32),
        pltpu.VMEM((_C,), jnp.int32),
        pltpu.VMEM((_C,), jnp.int32),
        pltpu.VMEM((_C,), jnp.float32),
        pltpu.VMEM((_C,), jnp.float32),
        pltpu.VMEM((_C,), jnp.float32),
        pltpu.VMEM((_C,), jnp.float32),
        pltpu.VMEM((_C,), jnp.float32),
        pltpu.VMEM((_C,), jnp.float32),
        pltpu.VMEM((_C,), jnp.int32),
        pltpu.VMEM((_C,), jnp.int32),
        pltpu.VMEM((_LANES,), jnp.float32),
        pltpu.VMEM((_ZB,), jnp.float32),
        pltpu.VMEM_SHARED((_F_PAD,), jnp.float32),
        pltpu.VMEM_SHARED((_F_PAD,), jnp.float32),
        pltpu.SemaphoreType.DMA,
        pltpu.SemaphoreType.DMA,
        pltpu.SemaphoreType.DMA,
        pltpu.SemaphoreType.DMA,
        pltpu.SemaphoreType.DMA,
        pltpu.SemaphoreType.DMA,
    ),
  )


def _tc_loss_body(eps_ref, nom_ref, den_ref, out_ref):
    eps = eps_ref[0, 0]
    nom = nom_ref[0] + nom_ref[1]
    den = den_ref[0] + den_ref[1]
    cv = den / jnp.maximum(nom, eps)
    t = cv - 1.0
    t2 = t * t
    cv5 = 1.0 + t2 * t2 * t
    lg = jnp.log(jnp.maximum(cv5, eps))
    rows = lax.broadcasted_iota(jnp.int32, (_ROWS, 128), 0)
    cols = lax.broadcasted_iota(jnp.int32, (_ROWS, 128), 1)
    valid = (rows * 128 + cols) < _F
    out_ref[0, 0] = jnp.sum(jnp.where(valid, lg, 0.0)) * (1.0 / _F)


_tc_loss = pl.pallas_call(
    _tc_loss_body,
    out_shape=jax.ShapeDtypeStruct((1, 1), jnp.float32),
    in_specs=[
        pl.BlockSpec(memory_space=pltpu.SMEM),
        pl.BlockSpec(memory_space=pltpu.VMEM),
        pl.BlockSpec(memory_space=pltpu.VMEM),
    ],
    out_specs=pl.BlockSpec(memory_space=pltpu.SMEM),
)


def kernel(variable_prediction, label, graph_map, batch_variable_map,
           batch_function_map, edge_feature, meta_data, global_step, eps):
    coeff = jnp.minimum(jnp.power(global_step, _ALPHA),
                        jnp.float32(_MAX_COEFF))
    coeff16 = jnp.broadcast_to(coeff.astype(jnp.float32), (_LANES,))
    vp = variable_prediction.reshape(_V)
    ef = edge_feature.reshape(_E)
    vidx = graph_map[0]
    fidx = graph_map[1]
    nom_flat, den_flat = _build_sc_segment()(vp, vidx, fidx, ef, coeff16)
    nom3 = nom_flat.reshape(_NC, _ROWS, 128)
    den3 = den_flat.reshape(_NC, _ROWS, 128)
    loss = _tc_loss(eps.reshape(1, 1), nom3, den3)
    return loss[0, 0]

# --- scband reference (transcript-rebuilt; emitter-appended) ---
"""Pipeline reference for scband-sat-loss-evaluator-31353261260819 (READ-ONLY COPY).

The authoritative reference and input builder live on the scoring server;
editing this copy changes nothing except your own understanding.
"""

import jax, jax.numpy as jnp
import numpy as np

V = 100000
F = 100000
E = 3200000
ALPHA = 0.4
MAX_COEFF = 10.0
LOSS_SHARPNESS = 5


def setup_inputs(seed: int = 0):
    key = jax.random.key(seed)
    ks = jax.random.split(key, 8)
    variable_prediction = jax.random.uniform(ks[0], (V, 1), dtype=jnp.float32)
    label = jax.random.uniform(ks[1], (V, 1), dtype=jnp.float32)
    var_idx = jax.random.randint(ks[2], (E,), 0, V, dtype=jnp.int32)
    fun_idx = jax.random.randint(ks[3], (E,), 0, F, dtype=jnp.int32)
    graph_map = jnp.stack([var_idx, fun_idx])
    batch_variable_map = jax.random.randint(ks[4], (V,), 0, 16, dtype=jnp.int32)
    batch_function_map = jax.random.randint(ks[5], (F,), 0, 16, dtype=jnp.int32)
    edge_feature = jax.random.uniform(ks[6], (E, 1), dtype=jnp.float32)
    meta_data = jnp.zeros((1,), dtype=jnp.float32)
    global_step = jnp.ones((1,), dtype=jnp.float32)
    eps = jnp.zeros((1,), dtype=jnp.float32)
    return {"variable_prediction": variable_prediction, "label": label, "graph_map": graph_map, "batch_variable_map": batch_variable_map, "batch_function_map": batch_function_map, "edge_feature": edge_feature, "meta_data": meta_data, "global_step": global_step, "eps": eps}


def reference(variable_prediction, label, graph_map, batch_variable_map, batch_function_map, edge_feature, meta_data, global_step, eps):
    coeff = jnp.minimum(jnp.power(global_step, ALPHA), jnp.full((1,), MAX_COEFF, dtype=jnp.float32))
    var_idx = graph_map[0]
    fun_idx = graph_map[1]
    function_num = batch_function_map.shape[0]
    # sparse [E,V] (values=edge_feature) @ variable_prediction[V,1] == gather + scale
    edge_values = edge_feature * jnp.take(variable_prediction, var_idx, axis=0)
    edge_values = edge_values + (1.0 - edge_feature) / 2.0
    weights = jnp.exp(coeff * edge_values)
    # sparse [F,E] (values=1) @ x[E,1] == scatter-add over clause ids
    nominator = jax.ops.segment_sum(weights * edge_values, fun_idx, num_segments=function_num)
    denominator = jax.ops.segment_sum(weights, fun_idx, num_segments=function_num)
    clause_value = denominator / jnp.maximum(nominator, eps)
    clause_value = 1.0 + (clause_value - 1.0) ** LOSS_SHARPNESS
    return jnp.mean(jnp.log(jnp.maximum(clause_value, eps)))

if __name__ == "__main__":
    import jax
    _d = setup_inputs()
    print(jax.jit(kernel)(*tuple(_d.values())))

</pallas_src>

<mosaic_0001>
#map = affine_map<(d0, d1) -> (0)>
module attributes {stable_mosaic.version = 14 : i64} {
  func.func @_sc_body(%arg0: i32, %arg1: i32, %arg2: memref<100000xf32, #tpu.memory_space<hbm>>, %arg3: memref<3200000xi32, #tpu.memory_space<hbm>>, %arg4: memref<3200000xi32, #tpu.memory_space<hbm>>, %arg5: memref<3200000xf32, #tpu.memory_space<hbm>>, %arg6: memref<16xf32, #tpu.memory_space<hbm>>, %arg7: memref<200704xf32, #tpu.memory_space<hbm>>, %arg8: memref<200704xf32, #tpu.memory_space<hbm>>, %arg9: memref<100000xf32, #tpu.memory_space<vmem>>, %arg10: memref<800xi32, #tpu.memory_space<vmem>>, %arg11: memref<800xi32, #tpu.memory_space<vmem>>, %arg12: memref<800xi32, #tpu.memory_space<vmem>>, %arg13: memref<800xi32, #tpu.memory_space<vmem>>, %arg14: memref<800xf32, #tpu.memory_space<vmem>>, %arg15: memref<800xf32, #tpu.memory_space<vmem>>, %arg16: memref<800xf32, #tpu.memory_space<vmem>>, %arg17: memref<800xf32, #tpu.memory_space<vmem>>, %arg18: memref<800xf32, #tpu.memory_space<vmem>>, %arg19: memref<800xf32, #tpu.memory_space<vmem>>, %arg20: memref<800xi32, #tpu.memory_space<vmem>>, %arg21: memref<800xi32, #tpu.memory_space<vmem>>, %arg22: memref<16xf32, #tpu.memory_space<vmem>>, %arg23: memref<3136xf32, #tpu.memory_space<vmem>>, %arg24: memref<100352xf32, #tpu.memory_space<vmem_shared>>, %arg25: memref<100352xf32, #tpu.memory_space<vmem_shared>>, %arg26: memref<!tpu.dma_semaphore, #tpu.memory_space<semaphore_mem>>, %arg27: memref<!tpu.dma_semaphore, #tpu.memory_space<semaphore_mem>>, %arg28: memref<!tpu.dma_semaphore, #tpu.memory_space<semaphore_mem>>, %arg29: memref<!tpu.dma_semaphore, #tpu.memory_space<semaphore_mem>>, %arg30: memref<!tpu.dma_semaphore, #tpu.memory_space<semaphore_mem>>, %arg31: memref<!tpu.dma_semaphore, #tpu.memory_space<semaphore_mem>>) attributes {dimension_semantics = [#tpu.dimension_semantics<core_parallel>, #tpu.dimension_semantics<subcore_parallel>], iteration_bounds = array<i64: 2, 16>, scalar_prefetch = 0 : i64, scratch_operands = 23 : i64, tpu.core_type = #tpu.core_type<sc_vector_subcore>, window_params = [{transform_indices = #map}, {transform_indices = #map}, {transform_indices = #map}, {transform_indices = #map}, {transform_indices = #map}, {transform_indices = #map}, {transform_indices = #map}]} {
    %mul3A = arith.constant 16 : i32
    %mul3A_0 = arith.muli %arg0, %mul3A : i32
    %add3A = arith.addi %mul3A_0, %arg1 : i32
    %mul3A_1 = arith.constant 100000 : i32
    %mul3A_2 = arith.muli %add3A, %mul3A_1 : i32
    tpu.enqueue_dma source(%arg2 : memref<100000xf32, #tpu.memory_space<hbm>>) target(%arg9 : memref<100000xf32, #tpu.memory_space<vmem>>) target_semaphore(%arg28 : memref<!tpu.dma_semaphore, #tpu.memory_space<semaphore_mem>>)
    "tpu.region"() ({
      %run_scoped3A = tpu.sem_alloc : memref<!tpu.dma_semaphore, #tpu.memory_space<semaphore_mem>>
      tpu.enqueue_dma source(%arg6 : memref<16xf32, #tpu.memory_space<hbm>>) target(%arg22 : memref<16xf32, #tpu.memory_space<vmem>>) target_semaphore(%run_scoped3A : memref<!tpu.dma_semaphore, #tpu.memory_space<semaphore_mem>>)
      tpu.wait_dma2 semaphore(%run_scoped3A : memref<!tpu.dma_semaphore, #tpu.memory_space<semaphore_mem>>) src(%arg6 : memref<16xf32, #tpu.memory_space<hbm>>) dst(%arg22 : memref<16xf32, #tpu.memory_space<vmem>>)
      tpu.yield
    }) : () -> ()
    %scan3A = arith.constant 0 : i32
    %scan3A_3 = arith.constant 0 : i32
    %scan3A_4 = arith.constant 196 : i32
    %scan3A_5 = arith.addi %scan3A_3, %scan3A_4 : i32
    %scan3A_6 = arith.constant 1 : i32
    %scan3A_7 = scf.for %scan3A_69 = %scan3A_3 to %scan3A_5 step %scan3A_6 iter_args(%scan3A_70 = %scan3A) -> (i32)  : i32 {
      %broadcast_in_dim3A = arith.constant 0.000000e+00 : f32
      %broadcast_in_dim3A_71 = vector.broadcast %broadcast_in_dim3A : f32 to vector<16xf32>
      %mul3A_72 = arith.constant 16 : i32
      %mul3A_73 = arith.muli %scan3A_69, %mul3A_72 : i32
      %swap3A = arith.index_cast %mul3A_73 : i32 to index
      %swap3A_74 = tpu.vector_load %arg23[%swap3A] {strides = array<i32>} : memref<3136xf32, #tpu.memory_space<vmem>>, vector<16xf32>,
      tpu.vector_store %arg23[%swap3A], %broadcast_in_dim3A_71 {strides = array<i32>} : memref<3136xf32, #tpu.memory_space<vmem>>, vector<16xf32>,
      %scan3A_75 = arith.constant 0 : i32
      scf.yield %scan3A_75 : i32
    }
    %scan3A_8 = arith.constant 196 : i32
    %mul3A_9 = arith.constant 6272 : i32
    %mul3A_10 = arith.muli %arg1, %mul3A_9 : i32
    %add3A_11 = arith.constant 0 : i32
    %add3A_12 = arith.addi %mul3A_10, %add3A_11 : i32
    "tpu.region"() ({
      %run_scoped3A = tpu.sem_alloc : memref<!tpu.dma_semaphore, #tpu.memory_space<semaphore_mem>>
      %dma_start3A_69 = tpu.memref_slice %arg24[%add3A_12] : memref<100352xf32, #tpu.memory_space<vmem_shared>> -> memref<3136xf32, #tpu.memory_space<vmem_shared>>
      %dma_start3A_70 = tpu.memref_slice %arg24[%add3A_12] : memref<100352xf32, #tpu.memory_space<vmem_shared>> -> memref<3136xf32, #tpu.memory_space<vmem_shared>>
      tpu.enqueue_dma source(%arg23 : memref<3136xf32, #tpu.memory_space<vmem>>) target(%dma_start3A_70 : memref<3136xf32, #tpu.memory_space<vmem_shared>>) target_semaphore(%run_scoped3A : memref<!tpu.dma_semaphore, #tpu.memory_space<semaphore_mem>>)
      %dma_wait3A_71 = tpu.memref_slice %arg24[%add3A_12] : memref<100352xf32, #tpu.memory_space<vmem_shared>> -> memref<3136xf32, #tpu.memory_space<vmem_shared>>
      %dma_wait3A_72 = tpu.memref_slice %arg24[%add3A_12] : memref<100352xf32, #tpu.memory_space<vmem_shared>> -> memref<3136xf32, #tpu.memory_space<vmem_shared>>
      tpu.wait_dma2 semaphore(%run_scoped3A : memref<!tpu.dma_semaphore, #tpu.memory_space<semaphore_mem>>) src(%arg23 : memref<3136xf32, #tpu.memory_space<vmem>>) dst(%dma_wait3A_72 : memref<3136xf32, #tpu.memory_space<vmem_shared>>)
      tpu.yield
    }) : () -> ()
    "tpu.region"() ({
      %run_scoped3A = tpu.sem_alloc : memref<!tpu.dma_semaphore, #tpu.memory_space<semaphore_mem>>
      %dma_start3A_69 = tpu.memref_slice %arg25[%add3A_12] : memref<100352xf32, #tpu.memory_space<vmem_shared>> -> memref<3136xf32, #tpu.memory_space<vmem_shared>>
      %dma_start3A_70 = tpu.memref_slice %arg25[%add3A_12] : memref<100352xf32, #tpu.memory_space<vmem_shared>> -> memref<3136xf32, #tpu.memory_space<vmem_shared>>
      tpu.enqueue_dma source(%arg23 : memref<3136xf32, #tpu.memory_space<vmem>>) target(%dma_start3A_70 : memref<3136xf32, #tpu.memory_space<vmem_shared>>) target_semaphore(%run_scoped3A : memref<!tpu.dma_semaphore, #tpu.memory_space<semaphore_mem>>)
      %dma_wait3A_71 = tpu.memref_slice %arg25[%add3A_12] : memref<100352xf32, #tpu.memory_space<vmem_shared>> -> memref<3136xf32, #tpu.memory_space<vmem_shared>>
      %dma_wait3A_72 = tpu.memref_slice %arg25[%add3A_12] : memref<100352xf32, #tpu.memory_space<vmem_shared>> -> memref<3136xf32, #tpu.memory_space<vmem_shared>>
      tpu.wait_dma2 semaphore(%run_scoped3A : memref<!tpu.dma_semaphore, #tpu.memory_space<semaphore_mem>>) src(%arg23 : memref<3136xf32, #tpu.memory_space<vmem>>) dst(%dma_wait3A_72 : memref<3136xf32, #tpu.memory_space<vmem_shared>>)
      tpu.yield
    }) : () -> ()
    %mul3A_13 = arith.constant 6272 : i32
    %mul3A_14 = arith.muli %arg1, %mul3A_13 : i32
    %add3A_15 = arith.constant 3136 : i32
    %add3A_16 = arith.addi %mul3A_14, %add3A_15 : i32
    "tpu.region"() ({
      %run_scoped3A = tpu.sem_alloc : memref<!tpu.dma_semaphore, #tpu.memory_space<semaphore_mem>>
      %dma_start3A_69 = tpu.memref_slice %arg24[%add3A_16] : memref<100352xf32, #tpu.memory_space<vmem_shared>> -> memref<3136xf32, #tpu.memory_space<vmem_shared>>
      %dma_start3A_70 = tpu.memref_slice %arg24[%add3A_16] : memref<100352xf32, #tpu.memory_space<vmem_shared>> -> memref<3136xf32, #tpu.memory_space<vmem_shared>>
      tpu.enqueue_dma source(%arg23 : memref<3136xf32, #tpu.memory_space<vmem>>) target(%dma_start3A_70 : memref<3136xf32, #tpu.memory_space<vmem_shared>>) target_semaphore(%run_scoped3A : memref<!tpu.dma_semaphore, #tpu.memory_space<semaphore_mem>>)
      %dma_wait3A_71 = tpu.memref_slice %arg24[%add3A_16] : memref<100352xf32, #tpu.memory_space<vmem_shared>> -> memref<3136xf32, #tpu.memory_space<vmem_shared>>
      %dma_wait3A_72 = tpu.memref_slice %arg24[%add3A_16] : memref<100352xf32, #tpu.memory_space<vmem_shared>> -> memref<3136xf32, #tpu.memory_space<vmem_shared>>
      tpu.wait_dma2 semaphore(%run_scoped3A : memref<!tpu.dma_semaphore, #tpu.memory_space<semaphore_mem>>) src(%arg23 : memref<3136xf32, #tpu.memory_space<vmem>>) dst(%dma_wait3A_72 : memref<3136xf32, #tpu.memory_space<vmem_shared>>)
      tpu.yield
    }) : () -> ()
    "tpu.region"() ({
      %run_scoped3A = tpu.sem_alloc : memref<!tpu.dma_semaphore, #tpu.memory_space<semaphore_mem>>
      %dma_start3A_69 = tpu.memref_slice %arg25[%add3A_16] : memref<100352xf32, #tpu.memory_space<vmem_shared>> -> memref<3136xf32, #tpu.memory_space<vmem_shared>>
      %dma_start3A_70 = tpu.memref_slice %arg25[%add3A_16] : memref<100352xf32, #tpu.memory_space<vmem_shared>> -> memref<3136xf32, #tpu.memory_space<vmem_shared>>
      tpu.enqueue_dma source(%arg23 : memref<3136xf32, #tpu.memory_space<vmem>>) target(%dma_start3A_70 : memref<3136xf32, #tpu.memory_space<vmem_shared>>) target_semaphore(%run_scoped3A : memref<!tpu.dma_semaphore, #tpu.memory_space<semaphore_mem>>)
      %dma_wait3A_71 = tpu.memref_slice %arg25[%add3A_16] : memref<100352xf32, #tpu.memory_space<vmem_shared>> -> memref<3136xf32, #tpu.memory_space<vmem_shared>>
      %dma_wait3A_72 = tpu.memref_slice %arg25[%add3A_16] : memref<100352xf32, #tpu.memory_space<vmem_shared>> -> memref<3136xf32, #tpu.memory_space<vmem_shared>>
      tpu.wait_dma2 semaphore(%run_scoped3A : memref<!tpu.dma_semaphore, #tpu.memory_space<semaphore_mem>>) src(%arg23 : memref<3136xf32, #tpu.memory_space<vmem>>) dst(%dma_wait3A_72 : memref<3136xf32, #tpu.memory_space<vmem_shared>>)
      tpu.yield
    }) : () -> ()
    tpu.wait_dma2 semaphore(%arg28 : memref<!tpu.dma_semaphore, #tpu.memory_space<semaphore_mem>>) src(%arg2 : memref<100000xf32, #tpu.memory_space<hbm>>) dst(%arg9 : memref<100000xf32, #tpu.memory_space<vmem>>)
    %barrier3A = arith.constant 0 : index
    tpu.barrier barrier_id(%barrier3A)
    %get3A = arith.constant 0 : index
    %get3A_17 = tpu.vector_load %arg22[%get3A] {strides = array<i32>} : memref<16xf32, #tpu.memory_space<vmem>>, vector<16xf32>,
    %multiple_of3A = tpu.assume_multiple %mul3A_2, 800 : i32
    %dma_start3A = tpu.memref_slice %arg3[%multiple_of3A] : memref<3200000xi32, #tpu.memory_space<hbm>> -> memref<800xi32, #tpu.memory_space<hbm>>
    %dma_start3A_18 = tpu.memref_slice %arg3[%multiple_of3A] : memref<3200000xi32, #tpu.memory_space<hbm>> -> memref<800xi32, #tpu.memory_space<hbm>>
    tpu.enqueue_dma source(%dma_start3A_18 : memref<800xi32, #tpu.memory_space<hbm>>) target(%arg10 : memref<800xi32, #tpu.memory_space<vmem>>) target_semaphore(%arg26 : memref<!tpu.dma_semaphore, #tpu.memory_space<semaphore_mem>>)
    %dma_start3A_19 = tpu.memref_slice %arg4[%multiple_of3A] : memref<3200000xi32, #tpu.memory_space<hbm>> -> memref<800xi32, #tpu.memory_space<hbm>>
    %dma_start3A_20 = tpu.memref_slice %arg4[%multiple_of3A] : memref<3200000xi32, #tpu.memory_space<hbm>> -> memref<800xi32, #tpu.memory_space<hbm>>
    tpu.enqueue_dma source(%dma_start3A_20 : memref<800xi32, #tpu.memory_space<hbm>>) target(%arg12 : memref<800xi32, #tpu.memory_space<vmem>>) target_semaphore(%arg26 : memref<!tpu.dma_semaphore, #tpu.memory_space<semaphore_mem>>)
    %dma_start3A_21 = tpu.memref_slice %arg5[%multiple_of3A] : memref<3200000xf32, #tpu.memory_space<hbm>> -> memref<800xf32, #tpu.memory_space<hbm>>
    %dma_start3A_22 = tpu.memref_slice %arg5[%multiple_of3A] : memref<3200000xf32, #tpu.memory_space<hbm>> -> memref<800xf32, #tpu.memory_space<hbm>>
    tpu.enqueue_dma source(%dma_start3A_22 : memref<800xf32, #tpu.memory_space<hbm>>) target(%arg14 : memref<800xf32, #tpu.memory_space<vmem>>) target_semaphore(%arg26 : memref<!tpu.dma_semaphore, #tpu.memory_space<semaphore_mem>>)
    %scan3A_23 = arith.constant 0 : i32
    %scan3A_24 = arith.constant 0 : i32
    %scan3A_25 = arith.constant 62 : i32
    %scan3A_26 = arith.addi %scan3A_24, %scan3A_25 : i32
    %scan3A_27 = arith.constant 1 : i32
    %scan3A_28 = scf.for %scan3A_69 = %scan3A_24 to %scan3A_26 step %scan3A_27 iter_args(%scan3A_70 = %scan3A_23) -> (i32)  : i32 {
      %mul3A_71 = arith.constant 2 : i32
      %mul3A_72 = arith.muli %mul3A_71, %scan3A_69 : i32
      %add3A_73 = arith.constant 0 : i32
      %add3A_74 = arith.addi %mul3A_72, %add3A_73 : i32
      %mul3A_75 = arith.constant 800 : i32
      %mul3A_76 = arith.muli %add3A_74, %mul3A_75 : i32
      %add3A_77 = arith.addi %mul3A_2, %mul3A_76 : i32
      %multiple_of3A_78 = tpu.assume_multiple %add3A_77, 800 : i32
      %add3A_79 = arith.constant 800 : i32
      %add3A_80 = arith.addi %multiple_of3A_78, %add3A_79 : i32
      %dma_start3A_81 = tpu.memref_slice %arg3[%add3A_80] : memref<3200000xi32, #tpu.memory_space<hbm>> -> memref<800xi32, #tpu.memory_space<hbm>>
      %dma_start3A_82 = tpu.memref_slice %arg3[%add3A_80] : memref<3200000xi32, #tpu.memory_space<hbm>> -> memref<800xi32, #tpu.memory_space<hbm>>
      tpu.enqueue_dma source(%dma_start3A_82 : memref<800xi32, #tpu.memory_space<hbm>>) target(%arg11 : memref<800xi32, #tpu.memory_space<vmem>>) target_semaphore(%arg27 : memref<!tpu.dma_semaphore, #tpu.memory_space<semaphore_mem>>)
      %dma_start3A_83 = tpu.memref_slice %arg4[%add3A_80] : memref<3200000xi32, #tpu.memory_space<hbm>> -> memref<800xi32, #tpu.memory_space<hbm>>
      %dma_start3A_84 = tpu.memref_slice %arg4[%add3A_80] : memref<3200000xi32, #tpu.memory_space<hbm>> -> memref<800xi32, #tpu.memory_space<hbm>>
      tpu.enqueue_dma source(%dma_start3A_84 : memref<800xi32, #tpu.memory_space<hbm>>) target(%arg13 : memref<800xi32, #tpu.memory_space<vmem>>) target_semaphore(%arg27 : memref<!tpu.dma_semaphore, #tpu.memory_space<semaphore_mem>>)
      %dma_start3A_85 = tpu.memref_slice %arg5[%add3A_80] : memref<3200000xf32, #tpu.memory_space<hbm>> -> memref<800xf32, #tpu.memory_space<hbm>>
      %dma_start3A_86 = tpu.memref_slice %arg5[%add3A_80] : memref<3200000xf32, #tpu.memory_space<hbm>> -> memref<800xf32, #tpu.memory_space<hbm>>
      tpu.enqueue_dma source(%dma_start3A_86 : memref<800xf32, #tpu.memory_space<hbm>>) target(%arg15 : memref<800xf32, #tpu.memory_space<vmem>>) target_semaphore(%arg27 : memref<!tpu.dma_semaphore, #tpu.memory_space<semaphore_mem>>)
      %ge3A = arith.constant 1 : i32
      %ge3A_87 = arith.cmpi sge, %scan3A_69, %ge3A : i32
      %convert_element_type3A = arith.extui %ge3A_87 : i1 to i32
      %cond3A = arith.constant 0 : i32
      %cond3A_88 = arith.cmpi ne, %convert_element_type3A, %cond3A : i32
      scf.if %cond3A_88 {
        %dma_wait3A_145 = arith.constant 0 : i32
        %dma_wait3A_146 = tpu.memref_slice %arg24[%dma_wait3A_145] : memref<100352xf32, #tpu.memory_space<vmem_shared>> -> memref<100352xf32, #tpu.memory_space<vmem_shared>>
        tpu.wait_indirect_dma semaphore(%arg28 : memref<!tpu.dma_semaphore, #tpu.memory_space<semaphore_mem>>) src(%arg16 : memref<800xf32, #tpu.memory_space<vmem>>) dst(%dma_wait3A_146 : memref<100352xf32, #tpu.memory_space<vmem_shared>>)
        %dma_wait3A_147 = arith.constant 0 : i32
        %dma_wait3A_148 = tpu.memref_slice %arg25[%dma_wait3A_147] : memref<100352xf32, #tpu.memory_space<vmem_shared>> -> memref<100352xf32, #tpu.memory_space<vmem_shared>>
        tpu.wait_indirect_dma semaphore(%arg30 : memref<!tpu.dma_semaphore, #tpu.memory_space<semaphore_mem>>) src(%arg18 : memref<800xf32, #tpu.memory_space<vmem>>) dst(%dma_wait3A_148 : memref<100352xf32, #tpu.memory_space<vmem_shared>>)
      } else {
      }
      %dma_wait3A_89 = tpu.memref_slice %arg3[%multiple_of3A_78] : memref<3200000xi32, #tpu.memory_space<hbm>> -> memref<800xi32, #tpu.memory_space<hbm>>
      %dma_wait3A_90 = tpu.memref_slice %arg3[%multiple_of3A_78] : memref<3200000xi32, #tpu.memory_space<hbm>> -> memref<800xi32, #tpu.memory_space<hbm>>
      tpu.wait_dma2 semaphore(%arg26 : memref<!tpu.dma_semaphore, #tpu.memory_space<semaphore_mem>>) src(%dma_wait3A_90 : memref<800xi32, #tpu.memory_space<hbm>>) dst(%arg10 : memref<800xi32, #tpu.memory_space<vmem>>)
      %dma_wait3A_91 = tpu.memref_slice %arg4[%multiple_of3A_78] : memref<3200000xi32, #tpu.memory_space<hbm>> -> memref<800xi32, #tpu.memory_space<hbm>>
      %dma_wait3A_92 = tpu.memref_slice %arg4[%multiple_of3A_78] : memref<3200000xi32, #tpu.memory_space<hbm>> -> memref<800xi32, #tpu.memory_space<hbm>>
      tpu.wait_dma2 semaphore(%arg26 : memref<!tpu.dma_semaphore, #tpu.memory_space<semaphore_mem>>) src(%dma_wait3A_92 : memref<800xi32, #tpu.memory_space<hbm>>) dst(%arg12 : memref<800xi32, #tpu.memory_space<vmem>>)
      %dma_wait3A_93 = tpu.memref_slice %arg5[%multiple_of3A_78] : memref<3200000xf32, #tpu.memory_space<hbm>> -> memref<800xf32, #tpu.memory_space<hbm>>
      %dma_wait3A_94 = tpu.memref_slice %arg5[%multiple_of3A_78] : memref<3200000xf32, #tpu.memory_space<hbm>> -> memref<800xf32, #tpu.memory_space<hbm>>
      tpu.wait_dma2 semaphore(%arg26 : memref<!tpu.dma_semaphore, #tpu.memory_space<semaphore_mem>>) src(%dma_wait3A_94 : memref<800xf32, #tpu.memory_space<hbm>>) dst(%arg14 : memref<800xf32, #tpu.memory_space<vmem>>)
      %scan3A_95 = arith.constant 0 : i32
      %scan3A_96 = arith.constant 0 : i32
      %scan3A_97 = arith.constant 25 : i32
      %scan3A_98 = arith.addi %scan3A_96, %scan3A_97 : i32
      %scan3A_99 = arith.constant 1 : i32
      %scan3A_100 = scf.for %scan3A_145 = %scan3A_96 to %scan3A_98 step %scan3A_99 iter_args(%scan3A_146 = %scan3A_95) -> (i32)  : i32 {
        %mul3A_147 = arith.constant 2 : i32
        %mul3A_148 = arith.muli %mul3A_147, %scan3A_145 : i32
        %mul3A_149 = arith.constant 16 : i32
        %mul3A_150 = arith.muli %mul3A_148, %mul3A_149 : i32
        %get3A_151 = arith.index_cast %mul3A_150 : i32 to index
        %get3A_152 = tpu.vector_load %arg10[%get3A_151] {strides = array<i32>} : memref<800xi32, #tpu.memory_space<vmem>>, vector<16xi32>,
        %get3A_153 = arith.index_cast %mul3A_150 : i32 to index
        %get3A_154 = tpu.vector_load %arg12[%get3A_153] {strides = array<i32>} : memref<800xi32, #tpu.memory_space<vmem>>, vector<16xi32>,
        %get3A_155 = arith.index_cast %mul3A_150 : i32 to index
        %get3A_156 = tpu.vector_load %arg14[%get3A_155] {strides = array<i32>} : memref<800xf32, #tpu.memory_space<vmem>>, vector<16xf32>,
        %gather3A = tpu.vector_load_idx %arg9[%get3A_152] : memref<100000xf32, #tpu.memory_space<vmem>>[vector<16xi32>], vector<16xf32>,
        %mul3A_157 = arith.mulf %get3A_156, %gather3A : vector<16xf32>
        %mul3A_158 = arith.constant 5.000000e-01 : f32
        %mul3A_159 = vector.broadcast %mul3A_158 : f32 to vector<16xf32>
        %mul3A_160 = arith.mulf %mul3A_159, %get3A_156 : vector<16xf32>
        %sub3A = arith.constant 5.000000e-01 : f32
        %sub3A_161 = vector.broadcast %sub3A : f32 to vector<16xf32>
        %sub3A_162 = arith.subf %sub3A_161, %mul3A_160 : vector<16xf32>
        %add3A_163 = arith.addf %mul3A_157, %sub3A_162 : vector<16xf32>
        %mul3A_164 = arith.mulf %get3A_17, %add3A_163 : vector<16xf32>
        %exp3A = math.exp %mul3A_164 : vector<16xf32>
        %mul3A_165 = arith.mulf %exp3A, %add3A_163 : vector<16xf32>
        %swap3A = arith.index_cast %mul3A_150 : i32 to index
        %swap3A_166 = tpu.vector_load %arg16[%swap3A] {strides = array<i32>} : memref<800xf32, #tpu.memory_space<vmem>>, vector<16xf32>,
        tpu.vector_store %arg16[%swap3A], %mul3A_165 {strides = array<i32>} : memref<800xf32, #tpu.memory_space<vmem>>, vector<16xf32>,
        %swap3A_167 = arith.index_cast %mul3A_150 : i32 to index
        %swap3A_168 = tpu.vector_load %arg18[%swap3A_167] {strides = array<i32>} : memref<800xf32, #tpu.memory_space<vmem>>, vector<16xf32>,
        tpu.vector_store %arg18[%swap3A_167], %exp3A {strides = array<i32>} : memref<800xf32, #tpu.memory_space<vmem>>, vector<16xf32>,
        %swap3A_169 = arith.index_cast %mul3A_150 : i32 to index
        %swap3A_170 = tpu.vector_load %arg20[%swap3A_169] {strides = array<i32>} : memref<800xi32, #tpu.memory_space<vmem>>, vector<16xi32>,
        tpu.vector_store %arg20[%swap3A_169], %get3A_154 {strides = array<i32>} : memref<800xi32, #tpu.memory_space<vmem>>, vector<16xi32>,
        %mul3A_171 = arith.constant 2 : i32
        %mul3A_172 = arith.muli %mul3A_171, %scan3A_145 : i32
        %add3A_173 = arith.constant 1 : i32
        %add3A_174 = arith.addi %mul3A_172, %add3A_173 : i32
        %mul3A_175 = arith.constant 16 : i32
        %mul3A_176 = arith.muli %add3A_174, %mul3A_175 : i32
        %get3A_177 = arith.index_cast %mul3A_176 : i32 to index
        %get3A_178 = tpu.vector_load %arg10[%get3A_177] {strides = array<i32>} : memref<800xi32, #tpu.memory_space<vmem>>, vector<16xi32>,
        %get3A_179 = arith.index_cast %mul3A_176 : i32 to index
        %get3A_180 = tpu.vector_load %arg12[%get3A_179] {strides = array<i32>} : memref<800xi32, #tpu.memory_space<vmem>>, vector<16xi32>,
        %get3A_181 = arith.index_cast %mul3A_176 : i32 to index
        %get3A_182 = tpu.vector_load %arg14[%get3A_181] {strides = array<i32>} : memref<800xf32, #tpu.memory_space<vmem>>, vector<16xf32>,
        %gather3A_183 = tpu.vector_load_idx %arg9[%get3A_178] : memref<100000xf32, #tpu.memory_space<vmem>>[vector<16xi32>], vector<16xf32>,
        %mul3A_184 = arith.mulf %get3A_182, %gather3A_183 : vector<16xf32>
        %mul3A_185 = arith.constant 5.000000e-01 : f32
        %mul3A_186 = vector.broadcast %mul3A_185 : f32 to vector<16xf32>
        %mul3A_187 = arith.mulf %mul3A_186, %get3A_182 : vector<16xf32>
        %sub3A_188 = arith.constant 5.000000e-01 : f32
        %sub3A_189 = vector.broadcast %sub3A_188 : f32 to vector<16xf32>
        %sub3A_190 = arith.subf %sub3A_189, %mul3A_187 : vector<16xf32>
        %add3A_191 = arith.addf %mul3A_184, %sub3A_190 : vector<16xf32>
        %mul3A_192 = arith.mulf %get3A_17, %add3A_191 : vector<16xf32>
        %exp3A_193 = math.exp %mul3A_192 : vector<16xf32>
        %mul3A_194 = arith.mulf %exp3A_193, %add3A_191 : vector<16xf32>
        %swap3A_195 = arith.index_cast %mul3A_176 : i32 to index
        %swap3A_196 = tpu.vector_load %arg16[%swap3A_195] {strides = array<i32>} : memref<800xf32, #tpu.memory_space<vmem>>, vector<16xf32>,
        tpu.vector_store %arg16[%swap3A_195], %mul3A_194 {strides = array<i32>} : memref<800xf32, #tpu.memory_space<vmem>>, vector<16xf32>,
        %swap3A_197 = arith.index_cast %mul3A_176 : i32 to index
        %swap3A_198 = tpu.vector_load %arg18[%swap3A_197] {strides = array<i32>} : memref<800xf32, #tpu.memory_space<vmem>>, vector<16xf32>,
        tpu.vector_store %arg18[%swap3A_197], %exp3A_193 {strides = array<i32>} : memref<800xf32, #tpu.memory_space<vmem>>, vector<16xf32>,
        %swap3A_199 = arith.index_cast %mul3A_176 : i32 to index
        %swap3A_200 = tpu.vector_load %arg20[%swap3A_199] {strides = array<i32>} : memref<800xi32, #tpu.memory_space<vmem>>, vector<16xi32>,
        tpu.vector_store %arg20[%swap3A_199], %get3A_180 {strides = array<i32>} : memref<800xi32, #tpu.memory_space<vmem>>, vector<16xi32>,
        %scan3A_201 = arith.constant 0 : i32
        scf.yield %scan3A_201 : i32
      }
      %scan3A_101 = arith.constant 25 : i32
      %dma_start3A_102 = arith.constant 0 : i32
      %dma_start3A_103 = tpu.memref_slice %arg24[%dma_start3A_102] : memref<100352xf32, #tpu.memory_space<vmem_shared>> -> memref<100352xf32, #tpu.memory_space<vmem_shared>>
      tpu.enqueue_indirect_dma source(%arg16 : memref<800xf32, #tpu.memory_space<vmem>>) target(%dma_start3A_103 : memref<100352xf32, #tpu.memory_space<vmem_shared>>) offsets(%arg20 : memref<800xi32, #tpu.memory_space<vmem>>) semaphore(%arg28 : memref<!tpu.dma_semaphore, #tpu.memory_space<semaphore_mem>>) {add = true}
      %dma_start3A_104 = arith.constant 0 : i32
      %dma_start3A_105 = tpu.memref_slice %arg25[%dma_start3A_104] : memref<100352xf32, #tpu.memory_space<vmem_shared>> -> memref<100352xf32, #tpu.memory_space<vmem_shared>>
      tpu.enqueue_indirect_dma source(%arg18 : memref<800xf32, #tpu.memory_space<vmem>>) target(%dma_start3A_105 : memref<100352xf32, #tpu.memory_space<vmem_shared>>) offsets(%arg20 : memref<800xi32, #tpu.memory_space<vmem>>) semaphore(%arg30 : memref<!tpu.dma_semaphore, #tpu.memory_space<semaphore_mem>>) {add = true}
      %mul3A_106 = arith.constant 2 : i32
      %mul3A_107 = arith.muli %mul3A_106, %scan3A_69 : i32
      %add3A_108 = arith.constant 1 : i32
      %add3A_109 = arith.addi %mul3A_107, %add3A_108 : i32
      %mul3A_110 = arith.constant 800 : i32
      %mul3A_111 = arith.muli %add3A_109, %mul3A_110 : i32
      %add3A_112 = arith.addi %mul3A_2, %mul3A_111 : i32
      %multiple_of3A_113 = tpu.assume_multiple %add3A_112, 800 : i32
      %add3A_114 = arith.constant 800 : i32
      %add3A_115 = arith.addi %multiple_of3A_113, %add3A_114 : i32
      %dma_start3A_116 = tpu.memref_slice %arg3[%add3A_115] : memref<3200000xi32, #tpu.memory_space<hbm>> -> memref<800xi32, #tpu.memory_space<hbm>>
      %dma_start3A_117 = tpu.memref_slice %arg3[%add3A_115] : memref<3200000xi32, #tpu.memory_space<hbm>> -> memref<800xi32, #tpu.memory_space<hbm>>
      tpu.enqueue_dma source(%dma_start3A_117 : memref<800xi32, #tpu.memory_space<hbm>>) target(%arg10 : memref<800xi32, #tpu.memory_space<vmem>>) target_semaphore(%arg26 : memref<!tpu.dma_semaphore, #tpu.memory_space<semaphore_mem>>)
      %dma_start3A_118 = tpu.memref_slice %arg4[%add3A_115] : memref<3200000xi32, #tpu.memory_space<hbm>> -> memref<800xi32, #tpu.memory_space<hbm>>
      %dma_start3A_119 = tpu.memref_slice %arg4[%add3A_115] : memref<3200000xi32, #tpu.memory_space<hbm>> -> memref<800xi32, #tpu.memory_space<hbm>>
      tpu.enqueue_dma source(%dma_start3A_119 : memref<800xi32, #tpu.memory_space<hbm>>) target(%arg12 : memref<800xi32, #tpu.memory_space<vmem>>) target_semaphore(%arg26 : memref<!tpu.dma_semaphore, #tpu.memory_space<semaphore_mem>>)
      %dma_start3A_120 = tpu.memref_slice %arg5[%add3A_115] : memref<3200000xf32, #tpu.memory_space<hbm>> -> memref<800xf32, #tpu.memory_space<hbm>>
      %dma_start3A_121 = tpu.memref_slice %arg5[%add3A_115] : memref<3200000xf32, #tpu.memory_space<hbm>> -> memref<800xf32, #tpu.memory_space<hbm>>
      tpu.enqueue_dma source(%dma_start3A_121 : memref<800xf32, #tpu.memory_space<hbm>>) target(%arg14 : memref<800xf32, #tpu.memory_space<vmem>>) target_semaphore(%arg26 : memref<!tpu.dma_semaphore, #tpu.memory_space<semaphore_mem>>)
      %ge3A_122 = arith.constant 1 : i32
      %ge3A_123 = arith.cmpi sge, %scan3A_69, %ge3A_122 : i32
      %convert_element_type3A_124 = arith.extui %ge3A_123 : i1 to i32
      %cond3A_125 = arith.constant 0 : i32
      %cond3A_126 = arith.cmpi ne, %convert_element_type3A_124, %cond3A_125 : i32
      scf.if %cond3A_126 {
        %dma_wait3A_145 = arith.constant 0 : i32
        %dma_wait3A_146 = tpu.memref_slice %arg24[%dma_wait3A_145] : memref<100352xf32, #tpu.memory_space<vmem_shared>> -> memref<100352xf32, #tpu.memory_space<vmem_shared>>
        tpu.wait_indirect_dma semaphore(%arg29 : memref<!tpu.dma_semaphore, #tpu.memory_space<semaphore_mem>>) src(%arg17 : memref<800xf32, #tpu.memory_space<vmem>>) dst(%dma_wait3A_146 : memref<100352xf32, #tpu.memory_space<vmem_shared>>)
        %dma_wait3A_147 = arith.constant 0 : i32
        %dma_wait3A_148 = tpu.memref_slice %arg25[%dma_wait3A_147] : memref<100352xf32, #tpu.memory_space<vmem_shared>> -> memref<100352xf32, #tpu.memory_space<vmem_shared>>
        tpu.wait_indirect_dma semaphore(%arg31 : memref<!tpu.dma_semaphore, #tpu.memory_space<semaphore_mem>>) src(%arg19 : memref<800xf32, #tpu.memory_space<vmem>>) dst(%dma_wait3A_148 : memref<100352xf32, #tpu.memory_space<vmem_shared>>)
      } else {
      }
      %dma_wait3A_127 = tpu.memref_slice %arg3[%multiple_of3A_113] : memref<3200000xi32, #tpu.memory_space<hbm>> -> memref<800xi32, #tpu.memory_space<hbm>>
      %dma_wait3A_128 = tpu.memref_slice %arg3[%multiple_of3A_113] : memref<3200000xi32, #tpu.memory_space<hbm>> -> memref<800xi32, #tpu.memory_space<hbm>>
      tpu.wait_dma2 semaphore(%arg27 : memref<!tpu.dma_semaphore, #tpu.memory_space<semaphore_mem>>) src(%dma_wait3A_128 : memref<800xi32, #tpu.memory_space<hbm>>) dst(%arg11 : memref<800xi32, #tpu.memory_space<vmem>>)
      %dma_wait3A_129 = tpu.memref_slice %arg4[%multiple_of3A_113] : memref<3200000xi32, #tpu.memory_space<hbm>> -> memref<800xi32, #tpu.memory_space<hbm>>
      %dma_wait3A_130 = tpu.memref_slice %arg4[%multiple_of3A_113] : memref<3200000xi32, #tpu.memory_space<hbm>> -> memref<800xi32, #tpu.memory_space<hbm>>
      tpu.wait_dma2 semaphore(%arg27 : memref<!tpu.dma_semaphore, #tpu.memory_space<semaphore_mem>>) src(%dma_wait3A_130 : memref<800xi32, #tpu.memory_space<hbm>>) dst(%arg13 : memref<800xi32, #tpu.memory_space<vmem>>)
      %dma_wait3A_131 = tpu.memref_slice %arg5[%multiple_of3A_113] : memref<3200000xf32, #tpu.memory_space<hbm>> -> memref<800xf32, #tpu.memory_space<hbm>>
      %dma_wait3A_132 = tpu.memref_slice %arg5[%multiple_of3A_113] : memref<3200000xf32, #tpu.memory_space<hbm>> -> memref<800xf32, #tpu.memory_space<hbm>>
      tpu.wait_dma2 semaphore(%arg27 : memref<!tpu.dma_semaphore, #tpu.memory_space<semaphore_mem>>) src(%dma_wait3A_132 : memref<800xf32, #tpu.memory_space<hbm>>) dst(%arg15 : memref<800xf32, #tpu.memory_space<vmem>>)
      %scan3A_133 = arith.constant 0 : i32
      %scan3A_134 = arith.constant 0 : i32
      %scan3A_135 = arith.constant 25 : i32
      %scan3A_136 = arith.addi %scan3A_134, %scan3A_135 : i32
      %scan3A_137 = arith.constant 1 : i32
      %scan3A_138 = scf.for %scan3A_145 = %scan3A_134 to %scan3A_136 step %scan3A_137 iter_args(%scan3A_146 = %scan3A_133) -> (i32)  : i32 {
        %mul3A_147 = arith.constant 2 : i32
        %mul3A_148 = arith.muli %mul3A_147, %scan3A_145 : i32
        %mul3A_149 = arith.constant 16 : i32
        %mul3A_150 = arith.muli %mul3A_148, %mul3A_149 : i32
        %get3A_151 = arith.index_cast %mul3A_150 : i32 to index
        %get3A_152 = tpu.vector_load %arg11[%get3A_151] {strides = array<i32>} : memref<800xi32, #tpu.memory_space<vmem>>, vector<16xi32>,
        %get3A_153 = arith.index_cast %mul3A_150 : i32 to index
        %get3A_154 = tpu.vector_load %arg13[%get3A_153] {strides = array<i32>} : memref<800xi32, #tpu.memory_space<vmem>>, vector<16xi32>,
        %get3A_155 = arith.index_cast %mul3A_150 : i32 to index
        %get3A_156 = tpu.vector_load %arg15[%get3A_155] {strides = array<i32>} : memref<800xf32, #tpu.memory_space<vmem>>, vector<16xf32>,
        %gather3A = tpu.vector_load_idx %arg9[%get3A_152] : memref<100000xf32, #tpu.memory_space<vmem>>[vector<16xi32>], vector<16xf32>,
        %mul3A_157 = arith.mulf %get3A_156, %gather3A : vector<16xf32>
        %mul3A_158 = arith.constant 5.000000e-01 : f32
        %mul3A_159 = vector.broadcast %mul3A_158 : f32 to vector<16xf32>
        %mul3A_160 = arith.mulf %mul3A_159, %get3A_156 : vector<16xf32>
        %sub3A = arith.constant 5.000000e-01 : f32
        %sub3A_161 = vector.broadcast %sub3A : f32 to vector<16xf32>
        %sub3A_162 = arith.subf %sub3A_161, %mul3A_160 : vector<16xf32>
        %add3A_163 = arith.addf %mul3A_157, %sub3A_162 : vector<16xf32>
        %mul3A_164 = arith.mulf %get3A_17, %add3A_163 : vector<16xf32>
        %exp3A = math.exp %mul3A_164 : vector<16xf32>
        %mul3A_165 = arith.mulf %exp3A, %add3A_163 : vector<16xf32>
        %swap3A = arith.index_cast %mul3A_150 : i32 to index
        %swap3A_166 = tpu.vector_load %arg17[%swap3A] {strides = array<i32>} : memref<800xf32, #tpu.memory_space<vmem>>, vector<16xf32>,
        tpu.vector_store %arg17[%swap3A], %mul3A_165 {strides = array<i32>} : memref<800xf32, #tpu.memory_space<vmem>>, vector<16xf32>,
        %swap3A_167 = arith.index_cast %mul3A_150 : i32 to index
        %swap3A_168 = tpu.vector_load %arg19[%swap3A_167] {strides = array<i32>} : memref<800xf32, #tpu.memory_space<vmem>>, vector<16xf32>,
        tpu.vector_store %arg19[%swap3A_167], %exp3A {strides = array<i32>} : memref<800xf32, #tpu.memory_space<vmem>>, vector<16xf32>,
        %swap3A_169 = arith.index_cast %mul3A_150 : i32 to index
        %swap3A_170 = tpu.vector_load %arg21[%swap3A_169] {strides = array<i32>} : memref<800xi32, #tpu.memory_space<vmem>>, vector<16xi32>,
        tpu.vector_store %arg21[%swap3A_169], %get3A_154 {strides = array<i32>} : memref<800xi32, #tpu.memory_space<vmem>>, vector<16xi32>,
        %mul3A_171 = arith.constant 2 : i32
        %mul3A_172 = arith.muli %mul3A_171, %scan3A_145 : i32
        %add3A_173 = arith.constant 1 : i32
        %add3A_174 = arith.addi %mul3A_172, %add3A_173 : i32
        %mul3A_175 = arith.constant 16 : i32
        %mul3A_176 = arith.muli %add3A_174, %mul3A_175 : i32
        %get3A_177 = arith.index_cast %mul3A_176 : i32 to index
        %get3A_178 = tpu.vector_load %arg11[%get3A_177] {strides = array<i32>} : memref<800xi32, #tpu.memory_space<vmem>>, vector<16xi32>,
        %get3A_179 = arith.index_cast %mul3A_176 : i32 to index
        %get3A_180 = tpu.vector_load %arg13[%get3A_179] {strides = array<i32>} : memref<800xi32, #tpu.memory_space<vmem>>, vector<16xi32>,
        %get3A_181 = arith.index_cast %mul3A_176 : i32 to index
        %get3A_182 = tpu.vector_load %arg15[%get3A_181] {strides = array<i32>} : memref<800xf32, #tpu.memory_space<vmem>>, vector<16xf32>,
        %gather3A_183 = tpu.vector_load_idx %arg9[%get3A_178] : memref<100000xf32, #tpu.memory_space<vmem>>[vector<16xi32>], vector<16xf32>,
        %mul3A_184 = arith.mulf %get3A_182, %gather3A_183 : vector<16xf32>
        %mul3A_185 = arith.constant 5.000000e-01 : f32
        %mul3A_186 = vector.broadcast %mul3A_185 : f32 to vector<16xf32>
        %mul3A_187 = arith.mulf %mul3A_186, %get3A_182 : vector<16xf32>
        %sub3A_188 = arith.constant 5.000000e-01 : f32
        %sub3A_189 = vector.broadcast %sub3A_188 : f32 to vector<16xf32>
        %sub3A_190 = arith.subf %sub3A_189, %mul3A_187 : vector<16xf32>
        %add3A_191 = arith.addf %mul3A_184, %sub3A_190 : vector<16xf32>
        %mul3A_192 = arith.mulf %get3A_17, %add3A_191 : vector<16xf32>
        %exp3A_193 = math.exp %mul3A_192 : vector<16xf32>
        %mul3A_194 = arith.mulf %exp3A_193, %add3A_191 : vector<16xf32>
        %swap3A_195 = arith.index_cast %mul3A_176 : i32 to index
        %swap3A_196 = tpu.vector_load %arg17[%swap3A_195] {strides = array<i32>} : memref<800xf32, #tpu.memory_space<vmem>>, vector<16xf32>,
        tpu.vector_store %arg17[%swap3A_195], %mul3A_194 {strides = array<i32>} : memref<800xf32, #tpu.memory_space<vmem>>, vector<16xf32>,
        %swap3A_197 = arith.index_cast %mul3A_176 : i32 to index
        %swap3A_198 = tpu.vector_load %arg19[%swap3A_197] {strides = array<i32>} : memref<800xf32, #tpu.memory_space<vmem>>, vector<16xf32>,
        tpu.vector_store %arg19[%swap3A_197], %exp3A_193 {strides = array<i32>} : memref<800xf32, #tpu.memory_space<vmem>>, vector<16xf32>,
        %swap3A_199 = arith.index_cast %mul3A_176 : i32 to index
        %swap3A_200 = tpu.vector_load %arg21[%swap3A_199] {strides = array<i32>} : memref<800xi32, #tpu.memory_space<vmem>>, vector<16xi32>,
        tpu.vector_store %arg21[%swap3A_199], %get3A_180 {strides = array<i32>} : memref<800xi32, #tpu.memory_space<vmem>>, vector<16xi32>,
        %scan3A_201 = arith.constant 0 : i32
        scf.yield %scan3A_201 : i32
      }
      %scan3A_139 = arith.constant 25 : i32
      %dma_start3A_140 = arith.constant 0 : i32
      %dma_start3A_141 = tpu.memref_slice %arg24[%dma_start3A_140] : memref<100352xf32, #tpu.memory_space<vmem_shared>> -> memref<100352xf32, #tpu.memory_space<vmem_shared>>
      tpu.enqueue_indirect_dma source(%arg17 : memref<800xf32, #tpu.memory_space<vmem>>) target(%dma_start3A_141 : memref<100352xf32, #tpu.memory_space<vmem_shared>>) offsets(%arg21 : memref<800xi32, #tpu.memory_space<vmem>>) semaphore(%arg29 : memref<!tpu.dma_semaphore, #tpu.memory_space<semaphore_mem>>) {add = true}
      %dma_start3A_142 = arith.constant 0 : i32
      %dma_start3A_143 = tpu.memref_slice %arg25[%dma_start3A_142] : memref<100352xf32, #tpu.memory_space<vmem_shared>> -> memref<100352xf32, #tpu.memory_space<vmem_shared>>
      tpu.enqueue_indirect_dma source(%arg19 : memref<800xf32, #tpu.memory_space<vmem>>) target(%dma_start3A_143 : memref<100352xf32, #tpu.memory_space<vmem_shared>>) offsets(%arg21 : memref<800xi32, #tpu.memory_space<vmem>>) semaphore(%arg31 : memref<!tpu.dma_semaphore, #tpu.memory_space<semaphore_mem>>) {add = true}
      %scan3A_144 = arith.constant 0 : i32
      scf.yield %scan3A_144 : i32
    }
    %scan3A_29 = arith.constant 62 : i32
    %add3A_30 = arith.constant 99200 : i32
    %add3A_31 = arith.addi %mul3A_2, %add3A_30 : i32
    %multiple_of3A_32 = tpu.assume_multiple %add3A_31, 800 : i32
    %dma_wait3A = arith.constant 0 : i32
    %dma_wait3A_33 = tpu.memref_slice %arg24[%dma_wait3A] : memref<100352xf32, #tpu.memory_space<vmem_shared>> -> memref<100352xf32, #tpu.memory_space<vmem_shared>>
    tpu.wait_indirect_dma semaphore(%arg28 : memref<!tpu.dma_semaphore, #tpu.memory_space<semaphore_mem>>) src(%arg16 : memref<800xf32, #tpu.memory_space<vmem>>) dst(%dma_wait3A_33 : memref<100352xf32, #tpu.memory_space<vmem_shared>>)
    %dma_wait3A_34 = arith.constant 0 : i32
    %dma_wait3A_35 = tpu.memref_slice %arg25[%dma_wait3A_34] : memref<100352xf32, #tpu.memory_space<vmem_shared>> -> memref<100352xf32, #tpu.memory_space<vmem_shared>>
    tpu.wait_indirect_dma semaphore(%arg30 : memref<!tpu.dma_semaphore, #tpu.memory_space<semaphore_mem>>) src(%arg18 : memref<800xf32, #tpu.memory_space<vmem>>) dst(%dma_wait3A_35 : memref<100352xf32, #tpu.memory_space<vmem_shared>>)
    %dma_wait3A_36 = tpu.memref_slice %arg3[%multiple_of3A_32] : memref<3200000xi32, #tpu.memory_space<hbm>> -> memref<800xi32, #tpu.memory_space<hbm>>
    %dma_wait3A_37 = tpu.memref_slice %arg3[%multiple_of3A_32] : memref<3200000xi32, #tpu.memory_space<hbm>> -> memref<800xi32, #tpu.memory_space<hbm>>
    tpu.wait_dma2 semaphore(%arg26 : memref<!tpu.dma_semaphore, #tpu.memory_space<semaphore_mem>>) src(%dma_wait3A_37 : memref<800xi32, #tpu.memory_space<hbm>>) dst(%arg10 : memref<800xi32, #tpu.memory_space<vmem>>)
    %dma_wait3A_38 = tpu.memref_slice %arg4[%multiple_of3A_32] : memref<3200000xi32, #tpu.memory_space<hbm>> -> memref<800xi32, #tpu.memory_space<hbm>>
    %dma_wait3A_39 = tpu.memref_slice %arg4[%multiple_of3A_32] : memref<3200000xi32, #tpu.memory_space<hbm>> -> memref<800xi32, #tpu.memory_space<hbm>>
    tpu.wait_dma2 semaphore(%arg26 : memref<!tpu.dma_semaphore, #tpu.memory_space<semaphore_mem>>) src(%dma_wait3A_39 : memref<800xi32, #tpu.memory_space<hbm>>) dst(%arg12 : memref<800xi32, #tpu.memory_space<vmem>>)
    %dma_wait3A_40 = tpu.memref_slice %arg5[%multiple_of3A_32] : memref<3200000xf32, #tpu.memory_space<hbm>> -> memref<800xf32, #tpu.memory_space<hbm>>
    %dma_wait3A_41 = tpu.memref_slice %arg5[%multiple_of3A_32] : memref<3200000xf32, #tpu.memory_space<hbm>> -> memref<800xf32, #tpu.memory_space<hbm>>
    tpu.wait_dma2 semaphore(%arg26 : memref<!tpu.dma_semaphore, #tpu.memory_space<semaphore_mem>>) src(%dma_wait3A_41 : memref<800xf32, #tpu.memory_space<hbm>>) dst(%arg14 : memref<800xf32, #tpu.memory_space<vmem>>)
    %scan3A_42 = arith.constant 0 : i32
    %scan3A_43 = arith.constant 0 : i32
    %scan3A_44 = arith.constant 25 : i32
    %scan3A_45 = arith.addi %scan3A_43, %scan3A_44 : i32
    %scan3A_46 = arith.constant 1 : i32
    %scan3A_47 = scf.for %scan3A_69 = %scan3A_43 to %scan3A_45 step %scan3A_46 iter_args(%scan3A_70 = %scan3A_42) -> (i32)  : i32 {
      %mul3A_71 = arith.constant 2 : i32
      %mul3A_72 = arith.muli %mul3A_71, %scan3A_69 : i32
      %mul3A_73 = arith.constant 16 : i32
      %mul3A_74 = arith.muli %mul3A_72, %mul3A_73 : i32
      %get3A_75 = arith.index_cast %mul3A_74 : i32 to index
      %get3A_76 = tpu.vector_load %arg10[%get3A_75] {strides = array<i32>} : memref<800xi32, #tpu.memory_space<vmem>>, vector<16xi32>,
      %get3A_77 = arith.index_cast %mul3A_74 : i32 to index
      %get3A_78 = tpu.vector_load %arg12[%get3A_77] {strides = array<i32>} : memref<800xi32, #tpu.memory_space<vmem>>, vector<16xi32>,
      %get3A_79 = arith.index_cast %mul3A_74 : i32 to index
      %get3A_80 = tpu.vector_load %arg14[%get3A_79] {strides = array<i32>} : memref<800xf32, #tpu.memory_space<vmem>>, vector<16xf32>,
      %gather3A = tpu.vector_load_idx %arg9[%get3A_76] : memref<100000xf32, #tpu.memory_space<vmem>>[vector<16xi32>], vector<16xf32>,
      %mul3A_81 = arith.mulf %get3A_80, %gather3A : vector<16xf32>
      %mul3A_82 = arith.constant 5.000000e-01 : f32
      %mul3A_83 = vector.broadcast %mul3A_82 : f32 to vector<16xf32>
      %mul3A_84 = arith.mulf %mul3A_83, %get3A_80 : vector<16xf32>
      %sub3A = arith.constant 5.000000e-01 : f32
      %sub3A_85 = vector.broadcast %sub3A : f32 to vector<16xf32>
      %sub3A_86 = arith.subf %sub3A_85, %mul3A_84 : vector<16xf32>
      %add3A_87 = arith.addf %mul3A_81, %sub3A_86 : vector<16xf32>
      %mul3A_88 = arith.mulf %get3A_17, %add3A_87 : vector<16xf32>
      %exp3A = math.exp %mul3A_88 : vector<16xf32>
      %mul3A_89 = arith.mulf %exp3A, %add3A_87 : vector<16xf32>
      %swap3A = arith.index_cast %mul3A_74 : i32 to index
      %swap3A_90 = tpu.vector_load %arg16[%swap3A] {strides = array<i32>} : memref<800xf32, #tpu.memory_space<vmem>>, vector<16xf32>,
      tpu.vector_store %arg16[%swap3A], %mul3A_89 {strides = array<i32>} : memref<800xf32, #tpu.memory_space<vmem>>, vector<16xf32>,
      %swap3A_91 = arith.index_cast %mul3A_74 : i32 to index
      %swap3A_92 = tpu.vector_load %arg18[%swap3A_91] {strides = array<i32>} : memref<800xf32, #tpu.memory_space<vmem>>, vector<16xf32>,
      tpu.vector_store %arg18[%swap3A_91], %exp3A {strides = array<i32>} : memref<800xf32, #tpu.memory_space<vmem>>, vector<16xf32>,
      %swap3A_93 = arith.index_cast %mul3A_74 : i32 to index
      %swap3A_94 = tpu.vector_load %arg20[%swap3A_93] {strides = array<i32>} : memref<800xi32, #tpu.memory_space<vmem>>, vector<16xi32>,
      tpu.vector_store %arg20[%swap3A_93], %get3A_78 {strides = array<i32>} : memref<800xi32, #tpu.memory_space<vmem>>, vector<16xi32>,
      %mul3A_95 = arith.constant 2 : i32
      %mul3A_96 = arith.muli %mul3A_95, %scan3A_69 : i32
      %add3A_97 = arith.constant 1 : i32
      %add3A_98 = arith.addi %mul3A_96, %add3A_97 : i32
      %mul3A_99 = arith.constant 16 : i32
      %mul3A_100 = arith.muli %add3A_98, %mul3A_99 : i32
      %get3A_101 = arith.index_cast %mul3A_100 : i32 to index
      %get3A_102 = tpu.vector_load %arg10[%get3A_101] {strides = array<i32>} : memref<800xi32, #tpu.memory_space<vmem>>, vector<16xi32>,
      %get3A_103 = arith.index_cast %mul3A_100 : i32 to index
      %get3A_104 = tpu.vector_load %arg12[%get3A_103] {strides = array<i32>} : memref<800xi32, #tpu.memory_space<vmem>>, vector<16xi32>,
      %get3A_105 = arith.index_cast %mul3A_100 : i32 to index
      %get3A_106 = tpu.vector_load %arg14[%get3A_105] {strides = array<i32>} : memref<800xf32, #tpu.memory_space<vmem>>, vector<16xf32>,
      %gather3A_107 = tpu.vector_load_idx %arg9[%get3A_102] : memref<100000xf32, #tpu.memory_space<vmem>>[vector<16xi32>], vector<16xf32>,
      %mul3A_108 = arith.mulf %get3A_106, %gather3A_107 : vector<16xf32>
      %mul3A_109 = arith.constant 5.000000e-01 : f32
      %mul3A_110 = vector.broadcast %mul3A_109 : f32 to vector<16xf32>
      %mul3A_111 = arith.mulf %mul3A_110, %get3A_106 : vector<16xf32>
      %sub3A_112 = arith.constant 5.000000e-01 : f32
      %sub3A_113 = vector.broadcast %sub3A_112 : f32 to vector<16xf32>
      %sub3A_114 = arith.subf %sub3A_113, %mul3A_111 : vector<16xf32>
      %add3A_115 = arith.addf %mul3A_108, %sub3A_114 : vector<16xf32>
      %mul3A_116 = arith.mulf %get3A_17, %add3A_115 : vector<16xf32>
      %exp3A_117 = math.exp %mul3A_116 : vector<16xf32>
      %mul3A_118 = arith.mulf %exp3A_117, %add3A_115 : vector<16xf32>
      %swap3A_119 = arith.index_cast %mul3A_100 : i32 to index
      %swap3A_120 = tpu.vector_load %arg16[%swap3A_119] {strides = array<i32>} : memref<800xf32, #tpu.memory_space<vmem>>, vector<16xf32>,
      tpu.vector_store %arg16[%swap3A_119], %mul3A_118 {strides = array<i32>} : memref<800xf32, #tpu.memory_space<vmem>>, vector<16xf32>,
      %swap3A_121 = arith.index_cast %mul3A_100 : i32 to index
      %swap3A_122 = tpu.vector_load %arg18[%swap3A_121] {strides = array<i32>} : memref<800xf32, #tpu.memory_space<vmem>>, vector<16xf32>,
      tpu.vector_store %arg18[%swap3A_121], %exp3A_117 {strides = array<i32>} : memref<800xf32, #tpu.memory_space<vmem>>, vector<16xf32>,
      %swap3A_123 = arith.index_cast %mul3A_100 : i32 to index
      %swap3A_124 = tpu.vector_load %arg20[%swap3A_123] {strides = array<i32>} : memref<800xi32, #tpu.memory_space<vmem>>, vector<16xi32>,
      tpu.vector_store %arg20[%swap3A_123], %get3A_104 {strides = array<i32>} : memref<800xi32, #tpu.memory_space<vmem>>, vector<16xi32>,
      %scan3A_125 = arith.constant 0 : i32
      scf.yield %scan3A_125 : i32
    }
    %scan3A_48 = arith.constant 25 : i32
    %dma_start3A_49 = arith.constant 0 : i32
    %dma_start3A_50 = tpu.memref_slice %arg24[%dma_start3A_49] : memref<100352xf32, #tpu.memory_space<vmem_shared>> -> memref<100352xf32, #tpu.memory_space<vmem_shared>>
    tpu.enqueue_indirect_dma source(%arg16 : memref<800xf32, #tpu.memory_space<vmem>>) target(%dma_start3A_50 : memref<100352xf32, #tpu.memory_space<vmem_shared>>) offsets(%arg20 : memref<800xi32, #tpu.memory_space<vmem>>) semaphore(%arg28 : memref<!tpu.dma_semaphore, #tpu.memory_space<semaphore_mem>>) {add = true}
    %dma_start3A_51 = arith.constant 0 : i32
    %dma_start3A_52 = tpu.memref_slice %arg25[%dma_start3A_51] : memref<100352xf32, #tpu.memory_space<vmem_shared>> -> memref<100352xf32, #tpu.memory_space<vmem_shared>>
    tpu.enqueue_indirect_dma source(%arg18 : memref<800xf32, #tpu.memory_space<vmem>>) target(%dma_start3A_52 : memref<100352xf32, #tpu.memory_space<vmem_shared>>) offsets(%arg20 : memref<800xi32, #tpu.memory_space<vmem>>) semaphore(%arg30 : memref<!tpu.dma_semaphore, #tpu.memory_space<semaphore_mem>>) {add = true}
    %dma_wait3A_53 = arith.constant 0 : i32
    %dma_wait3A_54 = tpu.memref_slice %arg24[%dma_wait3A_53] : memref<100352xf32, #tpu.memory_space<vmem_shared>> -> memref<100352xf32, #tpu.memory_space<vmem_shared>>
    tpu.wait_indirect_dma semaphore(%arg29 : memref<!tpu.dma_semaphore, #tpu.memory_space<semaphore_mem>>) src(%arg17 : memref<800xf32, #tpu.memory_space<vmem>>) dst(%dma_wait3A_54 : memref<100352xf32, #tpu.memory_space<vmem_shared>>)
    %dma_wait3A_55 = arith.constant 0 : i32
    %dma_wait3A_56 = tpu.memref_slice %arg25[%dma_wait3A_55] : memref<100352xf32, #tpu.memory_space<vmem_shared>> -> memref<100352xf32, #tpu.memory_space<vmem_shared>>
    tpu.wait_indirect_dma semaphore(%arg31 : memref<!tpu.dma_semaphore, #tpu.memory_space<semaphore_mem>>) src(%arg19 : memref<800xf32, #tpu.memory_space<vmem>>) dst(%dma_wait3A_56 : memref<100352xf32, #tpu.memory_space<vmem_shared>>)
    %dma_wait3A_57 = arith.constant 0 : i32
    %dma_wait3A_58 = tpu.memref_slice %arg24[%dma_wait3A_57] : memref<100352xf32, #tpu.memory_space<vmem_shared>> -> memref<100352xf32, #tpu.memory_space<vmem_shared>>
    tpu.wait_indirect_dma semaphore(%arg28 : memref<!tpu.dma_semaphore, #tpu.memory_space<semaphore_mem>>) src(%arg16 : memref<800xf32, #tpu.memory_space<vmem>>) dst(%dma_wait3A_58 : memref<100352xf32, #tpu.memory_space<vmem_shared>>)
    %dma_wait3A_59 = arith.constant 0 : i32
    %dma_wait3A_60 = tpu.memref_slice %arg25[%dma_wait3A_59] : memref<100352xf32, #tpu.memory_space<vmem_shared>> -> memref<100352xf32, #tpu.memory_space<vmem_shared>>
    tpu.wait_indirect_dma semaphore(%arg30 : memref<!tpu.dma_semaphore, #tpu.memory_space<semaphore_mem>>) src(%arg18 : memref<800xf32, #tpu.memory_space<vmem>>) dst(%dma_wait3A_60 : memref<100352xf32, #tpu.memory_space<vmem_shared>>)
    %barrier3A_61 = arith.constant 0 : index
    tpu.barrier barrier_id(%barrier3A_61)
    %mul3A_62 = arith.constant 6272 : i32
    %mul3A_63 = arith.muli %arg1, %mul3A_62 : i32
    %mul3A_64 = arith.constant 100352 : i32
    %mul3A_65 = arith.muli %arg0, %mul3A_64 : i32
    %mul3A_66 = arith.constant 6272 : i32
    %mul3A_67 = arith.muli %arg1, %mul3A_66 : i32
    %add3A_68 = arith.addi %mul3A_65, %mul3A_67 : i32
    "tpu.region"() ({
      %run_scoped3A = tpu.sem_alloc : memref<!tpu.dma_semaphore, #tpu.memory_space<semaphore_mem>>
      %dma_start3A_69 = tpu.memref_slice %arg7[%add3A_68] : memref<200704xf32, #tpu.memory_space<hbm>> -> memref<6272xf32, #tpu.memory_space<hbm>>
      %dma_start3A_70 = tpu.memref_slice %arg24[%mul3A_63] : memref<100352xf32, #tpu.memory_space<vmem_shared>> -> memref<6272xf32, #tpu.memory_space<vmem_shared>>
      tpu.enqueue_dma source(%dma_start3A_70 : memref<6272xf32, #tpu.memory_space<vmem_shared>>) target(%dma_start3A_69 : memref<6272xf32, #tpu.memory_space<hbm>>) target_semaphore(%run_scoped3A : memref<!tpu.dma_semaphore, #tpu.memory_space<semaphore_mem>>)
      %dma_wait3A_71 = tpu.memref_slice %arg7[%add3A_68] : memref<200704xf32, #tpu.memory_space<hbm>> -> memref<6272xf32, #tpu.memory_space<hbm>>
      %dma_wait3A_72 = tpu.memref_slice %arg24[%mul3A_63] : memref<100352xf32, #tpu.memory_space<vmem_shared>> -> memref<6272xf32, #tpu.memory_space<vmem_shared>>
      tpu.wait_dma2 semaphore(%run_scoped3A : memref<!tpu.dma_semaphore, #tpu.memory_space<semaphore_mem>>) src(%dma_wait3A_72 : memref<6272xf32, #tpu.memory_space<vmem_shared>>) dst(%dma_wait3A_71 : memref<6272xf32, #tpu.memory_space<hbm>>)
      tpu.yield
    }) : () -> ()
    "tpu.region"() ({
      %run_scoped3A = tpu.sem_alloc : memref<!tpu.dma_semaphore, #tpu.memory_space<semaphore_mem>>
      %dma_start3A_69 = tpu.memref_slice %arg8[%add3A_68] : memref<200704xf32, #tpu.memory_space<hbm>> -> memref<6272xf32, #tpu.memory_space<hbm>>
      %dma_start3A_70 = tpu.memref_slice %arg25[%mul3A_63] : memref<100352xf32, #tpu.memory_space<vmem_shared>> -> memref<6272xf32, #tpu.memory_space<vmem_shared>>
      tpu.enqueue_dma source(%dma_start3A_70 : memref<6272xf32, #tpu.memory_space<vmem_shared>>) target(%dma_start3A_69 : memref<6272xf32, #tpu.memory_space<hbm>>) target_semaphore(%run_scoped3A : memref<!tpu.dma_semaphore, #tpu.memory_space<semaphore_mem>>)
      %dma_wait3A_71 = tpu.memref_slice %arg8[%add3A_68] : memref<200704xf32, #tpu.memory_space<hbm>> -> memref<6272xf32, #tpu.memory_space<hbm>>
      %dma_wait3A_72 = tpu.memref_slice %arg25[%mul3A_63] : memref<100352xf32, #tpu.memory_space<vmem_shared>> -> memref<6272xf32, #tpu.memory_space<vmem_shared>>
      tpu.wait_dma2 semaphore(%run_scoped3A : memref<!tpu.dma_semaphore, #tpu.memory_space<semaphore_mem>>) src(%dma_wait3A_72 : memref<6272xf32, #tpu.memory_space<vmem_shared>>) dst(%dma_wait3A_71 : memref<6272xf32, #tpu.memory_space<hbm>>)
      tpu.yield
    }) : () -> ()
    return
  }
}

module attributes {stable_mosaic.version = 14 : i64} {
  func.func @_tc_loss_body(%arg0: memref<1x1xf32, #tpu.memory_space<smem>>, %arg1: memref<2x784x128xf32, #tpu.memory_space<vmem>>, %arg2: memref<2x784x128xf32, #tpu.memory_space<vmem>>, %arg3: memref<1x1xf32, #tpu.memory_space<smem>>) attributes {dimension_semantics = [], scalar_prefetch = 0 : i64, scratch_operands = 0 : i64, tpu.core_type = #tpu.core_type<tc>} {
    %get3A = arith.constant 0 : index
    %get3A_0 = arith.constant 0 : index
    %get3A_1 = memref.load %arg0[%get3A, %get3A_0] : memref<1x1xf32, #tpu.memory_space<smem>>
    %get3A_2 = arith.constant 0 : index
    %get3A_3 = arith.constant 0 : index
    %get3A_4 = arith.constant 0 : index
    %get3A_5 = vector.load %arg1[%get3A_2, %get3A_3, %get3A_4] : memref<2x784x128xf32, #tpu.memory_space<vmem>>, vector<1x784x128xf32>
    %get3A_6 = vector.shape_cast %get3A_5 : vector<1x784x128xf32> to vector<784x128xf32>
    %get3A_7 = arith.constant 1 : index
    %get3A_8 = arith.constant 0 : index
    %get3A_9 = arith.constant 0 : index
    %get3A_10 = vector.load %arg1[%get3A_7, %get3A_8, %get3A_9] : memref<2x784x128xf32, #tpu.memory_space<vmem>>, vector<1x784x128xf32>
    %get3A_11 = vector.shape_cast %get3A_10 : vector<1x784x128xf32> to vector<784x128xf32>
    %add3A = arith.addf %get3A_6, %get3A_11 : vector<784x128xf32>
    %get3A_12 = arith.constant 0 : index
    %get3A_13 = arith.constant 0 : index
    %get3A_14 = arith.constant 0 : index
    %get3A_15 = vector.load %arg2[%get3A_12, %get3A_13, %get3A_14] : memref<2x784x128xf32, #tpu.memory_space<vmem>>, vector<1x784x128xf32>
    %get3A_16 = vector.shape_cast %get3A_15 : vector<1x784x128xf32> to vector<784x128xf32>
    %get3A_17 = arith.constant 1 : index
    %get3A_18 = arith.constant 0 : index
    %get3A_19 = arith.constant 0 : index
    %get3A_20 = vector.load %arg2[%get3A_17, %get3A_18, %get3A_19] : memref<2x784x128xf32, #tpu.memory_space<vmem>>, vector<1x784x128xf32>
    %get3A_21 = vector.shape_cast %get3A_20 : vector<1x784x128xf32> to vector<784x128xf32>
    %add3A_22 = arith.addf %get3A_16, %get3A_21 : vector<784x128xf32>
    %max3A = vector.broadcast %get3A_1 : f32 to vector<784x128xf32>
    %max3A_23 = arith.maximumf %add3A, %max3A : vector<784x128xf32>
    %div3A = arith.divf %add3A_22, %max3A_23 : vector<784x128xf32>
    %sub3A = arith.constant 1.000000e+00 : f32
    %sub3A_24 = vector.broadcast %sub3A : f32 to vector<784x128xf32>
    %sub3A_25 = arith.subf %div3A, %sub3A_24 : vector<784x128xf32>
    %mul3A = arith.mulf %sub3A_25, %sub3A_25 : vector<784x128xf32>
    %mul3A_26 = arith.mulf %mul3A, %mul3A : vector<784x128xf32>
    %mul3A_27 = arith.mulf %mul3A_26, %sub3A_25 : vector<784x128xf32>
    %add3A_28 = arith.constant 1.000000e+00 : f32
    %add3A_29 = vector.broadcast %add3A_28 : f32 to vector<784x128xf32>
    %add3A_30 = arith.addf %add3A_29, %mul3A_27 : vector<784x128xf32>
    %max3A_31 = vector.broadcast %get3A_1 : f32 to vector<784x128xf32>
    %max3A_32 = arith.maximumf %add3A_30, %max3A_31 : vector<784x128xf32>
    %log3A = math.log %max3A_32 : vector<784x128xf32>
    %iota3A = tpu.iota {dimensions = array<i32: 0>} : vector<784x128xi32>
    %iota3A_33 = tpu.iota {dimensions = array<i32: 1>} : vector<784x128xi32>
    %mul3A_34 = arith.constant 128 : i32
    %mul3A_35 = vector.broadcast %mul3A_34 : i32 to vector<784x128xi32>
    %mul3A_36 = arith.muli %iota3A, %mul3A_35 : vector<784x128xi32>
    %add3A_37 = arith.addi %mul3A_36, %iota3A_33 : vector<784x128xi32>
    %lt3A = arith.constant 100000 : i32
    %lt3A_38 = vector.broadcast %lt3A : i32 to vector<784x128xi32>
    %lt3A_39 = arith.cmpi slt, %add3A_37, %lt3A_38 : vector<784x128xi32>
    %jit3A = arith.constant 0.000000e+00 : f32
    %broadcast_in_dim3A = vector.broadcast %jit3A : f32 to vector<784x128xf32>
    %select_n3A = arith.select %lt3A_39, %log3A, %broadcast_in_dim3A : vector<784x128xi1>, vector<784x128xf32>
    %reduce_sum3A = vector.shape_cast %select_n3A : vector<784x128xf32> to vector<1x784x128xf32>
    %reduce_sum3A_40 = arith.constant dense<0.000000e+00> : vector<1xf32>
    %reduce_sum3A_41 = vector.multi_reduction <add>, %reduce_sum3A, %reduce_sum3A_40 [1, 2] : vector<1x784x128xf32> to vector<1xf32>
    %reduce_sum3A_42 = vector.shape_cast %reduce_sum3A_41 : vector<1xf32> to vector<1x1x1xf32>
    %reduce_sum3A_43 = vector.extract %reduce_sum3A_42[0, 0, 0] : f32 from vector<1x1x1xf32>
    %mul3A_44 = arith.constant 9.99999974E-6 : f32
    %mul3A_45 = arith.mulf %reduce_sum3A_43, %mul3A_44 : f32
    %swap3A = arith.constant 0 : index
    %swap3A_46 = arith.constant 0 : index
    %swap3A_47 = memref.load %arg3[%swap3A, %swap3A_46] : memref<1x1xf32, #tpu.memory_space<smem>>
    memref.store %mul3A_45, %arg3[%swap3A, %swap3A_46] : memref<1x1xf32, #tpu.memory_space<smem>>
    return
  }
}

</mosaic_0001>

<sc_bundles>
// kernel: kernel.4.cloned.1.call-start
scs
__scs_entry_jumppad:
0x0: {  	(pc) =	sbr.rel $0x88, $3  }
0x1: {  	(tag) =	ssettag $0x0;
	lr =	simm.s32 $0x1  }
0x2: {  	[smem:$0x3F9C] =	sst lr;
	_ =	strace $0xD0000000  }
0x3: {  	_ = 	snop  }
0x4: {  	_ = 	snop  }
0x5: {  	_ = 	snop  }
0x6: {  	_ = 	snop  }
0x7: {  	_ = 	snop  }
__scs_overlays_trampoline_lowered:
0x8: {  	[smem:$0x3FAB] =	sst s0  }
0x9: {  	[smem:$0x3FAC] =	sst s1  }
0xa: {  	[smem:$0x3FAD] =	sst s2  }
0xb: {  	[smem:$0x3FAE] =	sst s3  }
0xc: {  	[smem:$0x3FAF] =	sst s4  }
0xd: {  	[smem:$0x3FB0] =	sst s5  }
0xe: {  	[smem:$0x3FB1] =	sst s6  }
0xf: {  	[smem:$0x3FB2] =	sst s7  }
0x10: {  	[smem:$0x3FB3] =	sst s8  }
0x11: {  	[smem:$0x3FB4] =	sst s9;
	s0 =	simm.s32 @!p0 $0x0  }
0x12: {  	s1 =	sld [smem:$0x3F9A];
	s0 =	simm.s32 @p0 $0x1  }
0x13: {  	[smem:$0x3FB5] =	sst s0;
	s0 =	simm.s32 @!p1 $0x0  }
0x14: {  	s2 =	sld [smem:$0x3F99];
	s0 =	simm.s32 @p1 $0x1  }
0x15: {  	[smem:$0x3FB6] =	sst s0;
	s0 =	simm.s32 @!p2 $0x0  }
0x16: {  	s3 =	sld [smem:$0x3FDB];
	s0 =	simm.s32 @p2 $0x1  }
0x17: {  	s4 =	simm.s32 $0x1BF5;
	[smem:$0x3FB8] =	sst s0  }
0x18: {  	s0 =	sld [smem:$0x3F9B];
	_ =	swait.ge [sflag:s4], $0x0  }
0x19: {  	s7 =	sld [smem:$0x3F9C]  }
0x1a: {  	s8 =	sadd.s32 $0xFFFFE003, lr  }
0x1b: {  	s9 =	sadd.s32 $0xFFFFFEF7, lr;
	s5 =	simm.s32 $0xFFFFFFFF;
	p2 =	slt.u32 s8, $0xFFFFF086  }
0x1c: {  	p1 =	slt.u32 s9, $0xF7A;
	s5 =	simm.s32 @!p2 $0x0  }
0x1d: {  	s5 =	simm.s32 @p1 $0x1;
	p0 =	seq.s32 s7, s2  }
0x1e: {  	s7 =	smul.u32 @!p0 $0xF7A, s2;
	p2 =	seq.s32 @!p0 s5, $0x0  }
0x1f: {  	s9 =	smul.u32 $0xF7A, s1;
	s8 =	simm.s32 @!p0 $0x1BF5;
	p2 =	por !p2, p0  }
0x20: {  	[sflag:s8] =	ssyncset.s32 @!p0 $0xFFFFF086;
	s6 =	sadd.s32 @!p0 s3, s7;
	s7 =	simm.s32 @!p0 $0x108  }
0x21: {  	s3 =	sadd.s32 s3, s9;
	s6 =	sadd.s32 @!p0 $0x88, s6;
	s7 =	simm.s32 @p2 $0x1082  }
0x22: {  	[simem:s7], [sflag:s8] =	dma.local @!p0 [hbm:s6], $0xF7A  }
0x23: {  	s9 =	sor.u32 $0xD0000000, s2;
	s6 =	simm.s32 $0x108;
	_ =	swait.ge @!p0 [sflag:s8], $0x0  }
0x24: {  	s3 =	sadd.s32 $0x88, s3;
	s6 =	simm.s32 @!p1 $0x1082;
	[sflag:s4] =	ssyncset.s32 $0xFFFFF086  }
0x25: {  	[simem:s6], [sflag:s4] =	dma.local [hbm:s3], $0xF7A  }
0x26: {  	[smem:$0x3F9C] =	sst s1;
	(tag) =	ssettag s2;
	_ =	strace s9  }
0x27: {  	s1 =	sld [smem:$0x3FAC]  }
0x28: {  	s2 =	sld [smem:$0x3FAD]  }
0x29: {  	s4 =	sld [smem:$0x3FAF]  }
0x2a: {  	p0 =	seq.s32 s5, $0x0;
	s5 =	sld [smem:$0x3FB0]  }
0x2b: {  	s6 =	sld [smem:$0x3FB1]  }
0x2c: {  	s7 =	sld [smem:$0x3FB2]  }
0x2d: {  	s3 =	simm.s32 $0x108;
	s8 =	sld [smem:$0x3FB3]  }
0x2e: {  	s3 =	simm.s32 @!p0 $0x1082;
	s9 =	sld [smem:$0x3FB4]  }
0x2f: {  	lr =	sadd.s32 s0, s3;
	s0 =	sld [smem:$0x3FAB]  }
0x30: {  	s3 =	sld [smem:$0x3FAE]  }
0x31: {  	[smem:$0x3FB7] =	sst s10  }
0x32: {  	s10 =	sld [smem:$0x3FB5];
	_ =	sdelay $0x3  }
0x33: {  	p0 =	seq.s32 s10, $0x1;
	s10 =	sld [smem:$0x3FB7];
	_ =	sdelay $0x3  }
0x34: {  	[smem:$0x3FB7] =	sst s10  }
0x35: {  	s10 =	sld [smem:$0x3FB6];
	_ =	sdelay $0x3  }
0x36: {  	p1 =	seq.s32 s10, $0x1;
	s10 =	sld [smem:$0x3FB7];
	_ =	sdelay $0x3  }
0x37: {  	[smem:$0x3FB7] =	sst s10  }
0x38: {  	s10 =	sld [smem:$0x3FB8]  }
0x39: {  	_ = 	snop;
	(pc) =	sbr.ind lr, $3  }
0x3a: {  	_ = 	snop  }
0x3b: {  	_ = 	snop  }
0x3c: {  	p2 =	seq.s32 s10, $0x1;
	s10 =	sld [smem:$0x3FB7]  }
0x3d: {  	_ =	shalt  }
0x3e: {  	_ =	shalt  }
0x3f: {  	_ =	shalt  }
0x40: {  	_ =	shalt  }
0x41: {  	_ =	shalt  }
0x42: {  	_ =	shalt  }
0x43: {  	_ =	shalt  }
0x44: {  	_ =	shalt  }
0x45: {  	_ =	shalt  }
0x46: {  	_ =	shalt  }
0x47: {  	_ =	shalt  }
0x48: {  	_ =	shalt  }
0x49: {  	_ =	shalt  }
0x4a: {  	_ =	shalt  }
0x4b: {  	_ =	shalt  }
0x4c: {  	_ =	shalt  }
0x4d: {  	_ =	shalt  }
0x4e: {  	_ =	shalt  }
0x4f: {  	_ =	shalt  }
0x50: {  	_ =	shalt  }
0x51: {  	_ =	shalt  }
0x52: {  	_ =	shalt  }
0x53: {  	_ =	shalt  }
0x54: {  	_ =	shalt  }
0x55: {  	_ =	shalt  }
0x56: {  	_ =	shalt  }
0x57: {  	_ =	shalt  }
0x58: {  	_ =	shalt  }
0x59: {  	_ =	shalt  }
0x5a: {  	_ =	shalt  }
0x5b: {  	_ =	shalt  }
0x5c: {  	_ =	shalt  }
0x5d: {  	_ =	shalt  }
0x5e: {  	_ =	shalt  }
0x5f: {  	_ =	shalt  }
0x60: {  	_ =	shalt  }
0x61: {  	_ =	shalt  }
0x62: {  	_ =	shalt  }
0x63: {  	_ =	shalt  }
0x64: {  	_ =	shalt  }
0x65: {  	_ =	shalt  }
0x66: {  	_ =	shalt  }
0x67: {  	_ =	shalt  }
0x68: {  	_ =	shalt  }
0x69: {  	_ =	shalt  }
0x6a: {  	_ =	shalt  }
0x6b: {  	_ =	shalt  }
0x6c: {  	_ =	shalt  }
0x6d: {  	_ =	shalt  }
0x6e: {  	_ =	shalt  }
0x6f: {  	_ =	shalt  }
0x70: {  	_ =	shalt  }
0x71: {  	_ =	shalt  }
0x72: {  	_ =	shalt  }
0x73: {  	_ =	shalt  }
0x74: {  	_ =	shalt  }
0x75: {  	_ =	shalt  }
0x76: {  	_ =	shalt  }
0x77: {  	_ =	shalt  }
0x78: {  	_ =	shalt  }
0x79: {  	_ =	shalt  }
0x7a: {  	_ =	shalt  }
0x7b: {  	_ =	shalt  }
0x7c: {  	_ =	shalt  }
0x7d: {  	_ =	shalt  }
0x7e: {  	_ =	shalt  }
0x7f: {  	_ =	shalt  }
0x80: {  	_ =	shalt  }
0x81: {  	_ =	shalt  }
0x82: {  	_ =	shalt  }
0x83: {  	_ =	shalt  }
0x84: {  	_ =	shalt  }
0x85: {  	_ =	shalt  }
0x86: {  	_ =	shalt  }
0x87: {  	_ =	shalt  }
.Lfunc_end0:
.L_simem_size_0:
called_computation_lowered:
.L_overlay_start_0:
0x88: {  	s2 =	sld [smem:$0x3FD9]  }
0x89: {  	s3 =	sld [smem:$0x3FFE];
	_ =	sdelay $0x1  }
0x8a: {  	s1 =	srdreg.scid  }
0x8b: {  	s0 =	sand.u32 $0x1, s1  }
0x8c: {  	s17 =	sshll.u32 s0, $0xA;
	s2 =	sadd.s32 s3, s2  }
0x8d: {  	s2 =	sadd.s32 s2, s17  }
0x8e: {  	[smem:$0x3FC3] =	sst s2  }
0x8f: {  	_ = 	snop  }
0x90: {  	s2 =	sld [smem:$0x3FC7];
	(tm) =	ssettm $0x1  }
0x91: {  	s18 =	sld [smem:$0x3FFB];
	_ =	sdelay $0x3  }
0x92: {  	_ =	strace s18  }
0x93: {  	s3 =	sld [smem:$0x3FFC];
	_ =	sdelay $0x3  }
0x94: {  	_ =	strace s3  }
0x95: {  	s3 =	sld [smem:$0x3FFD];
	_ =	sdelay $0x3  }
0x96: {  	_ =	strace s3  }
0x97: {  	_ =	strace $0x8FFFFFFF  }
0x98: {  	s19 =	sld [smem:$0x3FDB];
	_ =	sdelay $0x1  }
0x99: {  	s4 =	simm.s32 $_scs_section_size  }
0x9a: {  	s5 =	simm.s32 $_size__tile_overlayer_lowered;
	s6 =	simm.s32 $_tile_overlayer_lowered  }
0x9b: {  	s22 =	simm.s32 $0x1BFF;
	s21 =	sshll.u32 s6, $0x1;
	s3 =	sadd.s32 s4, s19  }
0x9c: {  	s7 =	simm.s32 $0x0;
	s20 =	sshll.u32 s5, $0x1;
	s5 =	sadd.s32 s21, s3  }
0x9d: {  	[timem:s7], [sflag:s22] =	dma.local [hbm:s5], s20  }
0x9e: {  	_ =	swait.ge [sflag:s22], s20  }
0x9f: {  	s4 =	ssub.s32 $0x0, s20;
	[sflag:s22] =	ssyncset.done $0x0  }
0xa0: {  	[sflag:s22] =	ssyncadd.s32 s4;
	_ =	sdelay $0x1  }
0xa1: {  	s23 =	simm.s32 $0x1B8B  }
0xa2: {  	_ =	swait.ge [sflag:s23], $0x1  }
0xa3: {  	[sflag:s23] =	ssyncset.done $0x0  }
0xa4: {  	s25 =	simm.s32 $0x1B8E;
	s24 =	sld [smem:$0x3FFE];
	[sflag:s23] =	ssyncadd.s32 $0xFFFFFFFF  }
0xa5: {  	s26 =	simm.s32 $execute0_lowered;
	[smem:$0x3FD2] =	sst s25  }
0xa6: {  	s5 =	sshll.u32 s26, $0x1;
	_ =	strace $0x80000046;
	[dreg:$0x1] =	wrdreg $0xFFFFFFFF  }
0xa7: {  	s28 =	simm.s32 $_size_execute0_lowered;
	s3 =	sadd.s32 s3, s5;
	[dreg:$0x0] =	wrdreg $0x0  }
0xa8: {  	s5 =	sshll.u32 s28, $0x1;
	[dreg:$0x2] =	wrdreg s3  }
0xa9: {  	[dreg:$0x3] =	wrdreg s5  }
0xaa: {  	[dreg:$0x4] =	wrdreg $0xC0  }
0xab: {  	_ =	task [dreg:s7], $0x5FFFF  }
0xac: {  	[dreg:$0x1] =	wrdreg $0xFFFFFFFF  }
0xad: {  	[dreg:$0x0] =	wrdreg $0x60  }
0xae: {  	[dreg:$0x2] =	wrdreg s24  }
0xaf: {  	[dreg:$0x3] =	wrdreg s2  }
0xb0: {  	[dreg:$0x4] =	wrdreg $0x1BE000  }
0xb1: {  	[dreg:$0x5] =	wrdreg $0x1D6800  }
0xb2: {  	[dreg:$0x6] =	wrdreg $0x9  }
0xb3: {  	_ =	task.clear_ibuf [dreg:s7], $0x7FFFF;
	_ =	strace $0x90000046  }
0xb4: {  	s29 =	simm.s32 $0x9;
	_ =	strace $0x80000048  }
0xb5: {  	_ =	swait.ge [sflag:s29], $0x1  }
0xb6: {  	[sflag:s29] =	ssyncadd.s32 $0xFFFFFFFF  }
0xb7: {  	_ =	strace $0x90000048  }
0xb8: {  	_ =	sfence  }
0xb9: {  	s30 =	sld [smem:$0x0];
	_ =	sdelay $0x2  }
0xba: {  	s31 =	sshll.u32 s1, $0xD;
	s1 =	sshrl.u32 s1, $0x2  }
0xbb: {  	s3 =	sand.u32 $0x4000, s31;
	s1 =	sadd.s32 s1, s30  }
0xbc: {  	s0 =	sor.u32 s3, s0;
	s1 =	sshll.u32 s1, $0x11  }
0xbd: {  	s0 =	sor.u32 s1, s0  }
0xbe: {  	s0 =	sadd.s32 $0x8F2B, s0  }
0xbf: {  	[sflag:s0] =	ssyncadd.remote.s32 $0x1  }
0xc0: {  	_ =	sfence.sel $0xFFFF  }
0xc1: {  	[dreg:$0x0] =	wrdreg $0xFFFFFFFF;
	(pc) =	sbr.abs _section_cstart, $3  }
0xc2: {  	[dreg:$0x1] =	wrdreg $0xFFFFFFFF  }
0xc3: {  	_ =	task.clear_ibuf [dreg:s7], $0x2FFFF;
	_ =	strace $0x9FFFFFFF  }
0xc4: {  	(tm) =	ssettm $0x7FFFFFFF  }
0xc5: {  	_ =	shalt  }
tec
execute0_lowered:
.L_overlay_start_1:
0x0: {  	(tag) =	ssettag $0x1  }
0x1: {  	s0 =	rddreg [dreg:$0x0]  }
0x2: {  	s1 =	rddreg [dreg:$0x1]  }
0x3: {  	s2 =	rddreg [dreg:$0x2]  }
0x4: {  	s3 =	rddreg [dreg:$0x3];
	s5 =	simm.s32 $0x0;
	s4 =	srdreg.scid  }
0x5: {  	s11 =	stileid.u32;
	s28 =	simm.s32 $0x18E00;
	s29 =	simm.s32 $0x19500  }
0x6: {  	s30 =	simm.s32 $0x18A80;
	s31 =	simm.s32 $0x19180;
	s12 =	simm.s32 $0x1A300  }
0x7: {  	s13 =	simm.s32 $0x2;
	s14 =	simm.s32 $0x1AD80;
	s15 =	simm.s32 $0x19F80  }
0x8: {  	s16 =	simm.s32 $0x1A680;
	[smem:$0x7FF] =	sst s5;
	s4 =	sand.u32 $0x1, s4  }
0x9: {  	s6 =	smul.u32 $0x1880, s11;
	s7 =	sadd.s32 $0xC4400, s0;
	s8 =	sadd.s32 $0xC00, s0  }
0xa: {  	s10 =	sadd.s32 $0xC7600, s0;
	_ =	strace $0x80000047;
	[dreg:$0x5] =	wrdreg s7  }
0xb: {  	s7 =	sadd.s32 $0x62800, s0;
	s9 =	smul.u32 $0x18800, s4;
	s17 =	sshll.u32 s4, $0x4  }
0xc: {  	[dreg:$0x6] =	wrdreg s10;
	s4 =	ssub.s32 $0x2, s4;
	s10 =	sor.u32 s11, s17  }
0xd: {  	s18 =	sshrl.u32 s4, $0x1;
	s20 =	sadd.s32 s6, s3;
	s9 =	sadd.s32 s6, s9  }
0xe: {  	s10 =	smul.u32 $0x186A0, s10;
	s4 =	ssub.s32 s4, s18;
	s18 =	sadd.s32 s6, s2  }
0xf: {  	s6 =	sadd.s32 $0xC40, s6;
	[dreg:$0x8] =	wrdreg s20;
	s9 =	sshrl.u32 s9, $0x3  }
0x10: {  	s21 =	sadd.s32 s6, s2;
	s6 =	sadd.s32 s6, s3;
	[dreg:$0x7] =	wrdreg s18  }
0x11: {  	s26 =	smax.u32 s4, $0x1;
	s4 =	simm.s32 $0x320;
	[dreg:$0x9] =	wrdreg s21  }
0x12: {  	s0 =	sadd.s32 s9, s0;
	s19 =	sshrl.u32 s10, $0x3;
	[dreg:$0xa] =	wrdreg s6  }
0x13: {  	s17 =	sadd.s32 $0x320, s10;
	[dreg:$0x10] =	wrdreg s26;
	s22 =	sadd.s32 s7, s19  }
0x14: {  	s21 =	sadd.s32 $0x640, s10;
	s23 =	sadd.s32 s8, s19;
	[dreg:$0xb] =	wrdreg s22  }
0x15: {  	s26 =	simm.s32 $0x18700;
	s24 =	sadd.s32 s1, s19;
	[dreg:$0xc] =	wrdreg s23  }
0x16: {  	s6 =	simm.s32 $0x1AA00;
	s25 =	sadd.s32 $0xC7800, s0;
	[dreg:$0xd] =	wrdreg s24  }
0x17: {  	s9 =	simm.s32 $0x19C00;
	s0 =	sadd.s32 $0xCDA00, s0;
	[dreg:$0xe] =	wrdreg s25  }
0x18: {  	s19 =	simm.s32 $0x0;
	[dreg:$0xf] =	wrdreg s0;
	s23 =	simm.s32 $0x7  }
0x19: {  	v0 =	vimm.f32 $0.0e+00;
	s25 =	simm.s32 $0x3;
	s0 =	simm.s32 $0x19880;
	s22 =	simm.s32 $0x1  }
.LBB2_1:
0x1a: {  	s10 =	rddreg [dreg:$0x5]  }
0x1b: {  	[tilespmem:s5], [sflag:$0x3] =	stream.linear.gather [hbm4b:s10+s5], $0x18700, $0x38;
	[tilespmem:$0x1EF00] =	vst v63  }
0x1c: {  	s24 =	rddreg [dreg:$0x6];
	s11 =	simm.s32 $0x1B100  }
0x1d: {  	[tilespmem:s11], [sflag:$0x7] =	stream.linear.gather [hbm4b:s24+s5], $0x80, $0x38;
	[tilespmem:$0x1EF00] =	vst v63  }
0x1e: {  	_ =	swait.ge [sflag:s23], $0x80  }
0x1f: {  	[sflag:s23] =	ssyncset.done $0x0  }
0x20: {  	s10 =	simm.s32 $0x40;
	s11 =	simm.s32 $0x0;
	[sflag:s23] =	ssyncadd.s32 $0xFFFFFF80  }
.LBB2_2:
0x21: {  	p0 =	sne.s32 s10, $0x30C0;
	[tilespmem:s11+$0x1B180] =	vst v0;
	s11 =	smov.u32 s10;
	s10 =	sadd.s32 $0x40, s10  }
.Ltmp0:
0x22: {  	(pc) =	sbr.rel @p0 .LBB2_2-.Ltmp0, $2  }
0x23: {  	_ =	sdelay $0x2  }
0x24: {  	s11 =	sshra.s32 s11, $0x2  }
0x25: {  	[tilespmem:s11+$0x1B180] =	vst v0;
	s11 =	simm.s32 $0x1B180  }
0x26: {  	[spmem:s18] =	stream.linear.scatter [tilespmem:s11], [sflag:$0x7], $0xC40, $0x38;
	[tilespmem:$0x1EF00] =	vst v63  }
0x27: {  	_ =	swait.ge [sflag:s23], $0xC40  }
0x28: {  	[sflag:s23] =	ssyncset.done $0x0  }
0x29: {  	[sflag:s23] =	ssyncadd.s32 $0xFFFFF3C0  }
0x2a: {  	[spmem:s20] =	stream.linear.scatter [tilespmem:s11], [sflag:$0x7], $0xC40, $0x38;
	[tilespmem:$0x1EF00] =	vst v63  }
0x2b: {  	_ =	swait.ge [sflag:s23], $0xC40  }
0x2c: {  	[sflag:s23] =	ssyncset.done $0x0  }
0x2d: {  	s10 =	rddreg [dreg:$0x9];
	[sflag:s23] =	ssyncadd.s32 $0xFFFFF3C0  }
0x2e: {  	[spmem:s10] =	stream.linear.scatter [tilespmem:s11], [sflag:$0x7], $0xC40, $0x38;
	[tilespmem:$0x1EF00] =	vst v63  }
0x2f: {  	_ =	swait.ge [sflag:s23], $0xC40  }
0x30: {  	[sflag:s23] =	ssyncset.done $0x0  }
0x31: {  	s24 =	rddreg [dreg:$0xa];
	[sflag:s23] =	ssyncadd.s32 $0xFFFFF3C0  }
0x32: {  	[spmem:s24] =	stream.linear.scatter [tilespmem:s11], [sflag:$0x7], $0xC40, $0x38;
	[tilespmem:$0x1EF00] =	vst v63  }
0x33: {  	_ =	swait.ge [sflag:s23], $0xC40  }
0x34: {  	[sflag:s23] =	ssyncset.done $0x0  }
0x35: {  	[sflag:s23] =	ssyncadd.s32 $0xFFFFF3C0  }
0x36: {  	_ =	swait.ge [sflag:s25], $0x18700  }
0x37: {  	[sflag:s25] =	ssyncset.done $0x0  }
0x38: {  	[sflag:s25] =	ssyncadd.s32 $0xFFFE7900  }
0x39: {  	[bflag:$0x0] =	sbarrier.arrive $0xFFFF  }
0x3a: {  	s20 =	simm.s32 $0x0;
	s11 =	rddreg [dreg:$0xb]  }
0x3b: {  	v1 =	vld [tilespmem:$0x1B100];
	[tilespmem:s26], [sflag:$0x1] =	stream.linear.gather [hbm4b:s11+s20], $0x320, $0x38  }
0x3c: {  	s18 =	rddreg [dreg:$0xc]  }
0x3d: {  	[tilespmem:s28], [sflag:$0x1] =	stream.linear.gather [hbm4b:s18+s20], $0x320, $0x38;
	[tilespmem:$0x1EF00] =	vst v63  }
0x3e: {  	s24 =	rddreg [dreg:$0xd]  }
0x3f: {  	[tilespmem:s29], [sflag:$0x1] =	stream.linear.gather [hbm4b:s24+s20], $0x320, $0x38;
	[tilespmem:$0x1EF00] =	vst v63  }
.LBB2_4:
0x40: {  	s10 =	smul.u32 $0x640, s20;
	_ =	sdelay $0x1  }
0x41: {  	s11 =	sadd.s32 s17, s10  }
0x42: {  	s11 =	sshrl.u32 s11, $0x3  }
0x43: {  	s18 =	sadd.s32 s7, s11  }
0x44: {  	[tilespmem:s30], [sflag:$0x2] =	stream.linear.gather [hbm4b:s18+s5], $0x320, $0x38;
	[tilespmem:$0x1EF00] =	vst v63  }
0x45: {  	s24 =	sadd.s32 s8, s11  }
0x46: {  	[tilespmem:s31], [sflag:$0x2] =	stream.linear.gather [hbm4b:s24+s5], $0x320, $0x38;
	[tilespmem:$0x1EF00] =	vst v63  }
0x47: {  	p0 =	seq.s32 s20, $0x0;
	s11 =	sadd.s32 s1, s11  }
0x48: {  	[tilespmem:s0], [sflag:$0x2] =	stream.linear.gather [hbm4b:s11+s5], $0x320, $0x38;
	[tilespmem:$0x1EF00] =	vst v63  }
0x49: {  	s11 =	simm.s32 @!p0 $0x3  }
0x4a: {  	_ =	swait.ge @!p0 [sflag:s11], $0x320  }
0x4b: {  	[sflag:s11] =	ssyncset.done @!p0 $0x0  }
0x4c: {  	[sflag:s11] =	ssyncadd.s32 @!p0 $0xFFFFFCE0;
	s11 =	simm.s32 @!p0 $0x5  }
0x4d: {  	_ =	swait.ge @!p0 [sflag:s11], $0x320  }
0x4e: {  	[sflag:s11] =	ssyncset.done @!p0 $0x0  }
0x4f: {  	[sflag:s11] =	ssyncadd.s32 @!p0 $0xFFFFFCE0  }
0x50: {  	_ =	swait.ge [sflag:s22], $0x320  }
0x51: {  	[sflag:s22] =	ssyncset.done $0x0  }
0x52: {  	[sflag:s22] =	ssyncadd.s32 $0xFFFFFCE0  }
0x53: {  	_ =	swait.ge [sflag:s22], $0x320  }
0x54: {  	[sflag:s22] =	ssyncset.done $0x0  }
0x55: {  	[sflag:s22] =	ssyncadd.s32 $0xFFFFFCE0  }
0x56: {  	_ =	swait.ge [sflag:s22], $0x320  }
0x57: {  	[sflag:s22] =	ssyncset.done $0x0  }
0x58: {  	s11 =	simm.s32 $0x0;
	[sflag:s22] =	ssyncadd.s32 $0xFFFFFCE0  }
0x59: {  	v2 =	vld [tilespmem:s11+$0x18700];
	_ =	sdelay $0x5  }
0x5a: {  	v3 =	vld [tilespmem:s11+$0x19500];
	_ =	sdelay $0x1  }
0x5b: {  	v2 =	vld.idx.msk [tilespmem:v2+s5+$0x0], $0xffff;
	_ =	sdelay $0x2  }
0x5c: {  	v4 =	vmul.f32 $5.000000000e-01, v3;
	_ =	sdelay $0x1  }
0x5d: {  	v2 =	vmul.f32 v2, v3;
	v3 =	vsub.f32 $5.000000000e-01, v4;
	_ =	sdelay $0x1  }
0x5e: {  	v2 =	vadd.f32 v3, v2;
	_ =	sdelay $0x1  }
0x5f: {  	v3 =	vmul.f32 v2, v1;
	_ =	sdelay $0x1  }
0x60: {  	v3 =	vmul.f32 $1.442695020e+00, v3;
	_ =	sdelay $0x1  }
0x61: {  	(erf) = vpow2.f32 v3  }
0x62: {  	v3 =	vld [tilespmem:s11+$0x18E00];
	_ =	sdelay $0x4  }
0x63: {  	[tilespmem:s11+$0x1AA00] =	vst v3;
	v3 =	vld [tilespmem:s11+$0x18710];
	_ =	sdelay $0x2  }
0x64: {  	v62 =	vpop (erf)  }
0x65: {  	v2 =	vmul.f32 v62, v2;
	_ =	sdelay $0x1  }
0x66: {  	[tilespmem:s11+$0x19C00] =	vst v2;
	v2 =	vld [tilespmem:s11+$0x19510]  }
0x67: {  	[tilespmem:s11+$0x1A300] =	vst v62  }
0x68: {  	v3 =	vld.idx.msk [tilespmem:v3+s5+$0x0], $0xffff;
	_ =	sdelay $0x2  }
0x69: {  	v63 =	vmul.f32 $5.000000000e-01, v2;
	_ =	sdelay $0x1  }
0x6a: {  	v2 =	vmul.f32 v3, v2;
	v3 =	vsub.f32 $5.000000000e-01, v63;
	_ =	sdelay $0x1  }
0x6b: {  	v2 =	vadd.f32 v3, v2;
	_ =	sdelay $0x1  }
0x6c: {  	v3 =	vmul.f32 v2, v1;
	_ =	sdelay $0x1  }
0x6d: {  	v3 =	vmul.f32 $1.442695020e+00, v3  }
0x6e: {  	v5 =	vld [tilespmem:s11+$0x18E10]  }
0x6f: {  	(erf) = vpow2.f32 v3;
	_ =	sdelay $0x3  }
0x70: {  	s18 =	simm.s32 $0x20;
	s24 =	simm.s32 $0x100;
	[tilespmem:s11+$0x1AA10] =	vst v5  }
.LBB2_5:
0x71: {  	p1 =	sne.s32 s24, $0xC00;
	v3 =	vld [tilespmem:s18+$0x18700];
	_ =	sdelay $0x2  }
0x72: {  	v4 =	vld [tilespmem:s18+$0x18E00]  }
0x73: {  	v5 =	vpop (erf)  }
0x74: {  	v2 =	vmul.f32 v5, v2;
	[tilespmem:s11+$0x1A310] =	vst v5;
	_ =	sdelay $0x1  }
0x75: {  	v5 =	vld [tilespmem:s18+$0x19500];
	[tilespmem:s11+$0x19C10] =	vst v2;
	s11 =	smov.u32 s18  }
0x76: {  	v2 =	vld.idx.msk [tilespmem:v3+s5+$0x0], $0xffff;
	[tilespmem:s11+$0x1AA00] =	vst v4;
	_ =	sdelay $0x3  }
0x77: {  	v3 =	vmul.f32 $5.000000000e-01, v5;
	_ =	sdelay $0x1  }
0x78: {  	v2 =	vmul.f32 v2, v5;
	v3 =	vsub.f32 $5.000000000e-01, v3;
	_ =	sdelay $0x1  }
0x79: {  	v2 =	vadd.f32 v3, v2;
	_ =	sdelay $0x1  }
0x7a: {  	v3 =	vmul.f32 v2, v1;
	_ =	sdelay $0x1  }
0x7b: {  	v3 =	vmul.f32 $1.442695020e+00, v3;
	_ =	sdelay $0x1  }
0x7c: {  	(erf) = vpow2.f32 v3;
	_ =	sdelay $0x4  }
0x7d: {  	v3 =	vld [tilespmem:s11+$0x18710];
	_ =	sdelay $0x2  }
0x7e: {  	v4 =	vld [tilespmem:s11+$0x18E10]  }
0x7f: {  	v5 =	vpop (erf)  }
0x80: {  	v2 =	vmul.f32 v5, v2;
	[tilespmem:s11+$0x1A300] =	vst v5;
	_ =	sdelay $0x1  }
0x81: {  	[tilespmem:s11+$0x19C00] =	vst v2;
	v2 =	vld [tilespmem:s11+$0x19510]  }
0x82: {  	v3 =	vld.idx.msk [tilespmem:v3+s5+$0x0], $0xffff;
	[tilespmem:s11+$0x1AA10] =	vst v4;
	_ =	sdelay $0x3  }
0x83: {  	v4 =	vmul.f32 $5.000000000e-01, v2;
	_ =	sdelay $0x1  }
0x84: {  	v2 =	vmul.f32 v3, v2;
	v3 =	vsub.f32 $5.000000000e-01, v4;
	_ =	sdelay $0x1  }
0x85: {  	v2 =	vadd.f32 v3, v2;
	_ =	sdelay $0x1  }
0x86: {  	v3 =	vmul.f32 v2, v1;
	_ =	sdelay $0x1  }
0x87: {  	v3 =	vmul.f32 $1.442695020e+00, v3;
	_ =	sdelay $0x1  }
.Ltmp1:
0x88: {  	(erf) = vpow2.f32 v3;
	(pc) =	sbr.rel @p1 .LBB2_5-.Ltmp1, $2  }
0x89: {  	_ =	sdelay $0x2  }
0x8a: {  	s18 =	sshra.s32 s24, $0x2;
	s24 =	sadd.s32 $0x80, s24  }
0x8b: {  	v3 =	vld [tilespmem:s18+$0x18700];
	_ =	sdelay $0x3  }
0x8c: {  	v5 =	vpop (erf)  }
0x8d: {  	v4 =	vld [tilespmem:s18+$0x18E00];
	v2 =	vmul.f32 v5, v2;
	[tilespmem:s11+$0x1A310] =	vst v5  }
0x8e: {  	v5 =	vld [tilespmem:s18+$0x19500]  }
0x8f: {  	[tilespmem:s11+$0x19C10] =	vst v2  }
0x90: {  	v2 =	vld.idx.msk [tilespmem:v3+s5+$0x0], $0xffff;
	_ =	sdelay $0x2  }
0x91: {  	v3 =	vmul.f32 $5.000000000e-01, v5;
	_ =	sdelay $0x1  }
0x92: {  	v2 =	vmul.f32 v2, v5;
	v3 =	vsub.f32 $5.000000000e-01, v3;
	_ =	sdelay $0x1  }
0x93: {  	v2 =	vadd.f32 v3, v2;
	_ =	sdelay $0x1  }
0x94: {  	v3 =	vmul.f32 v2, v1;
	_ =	sdelay $0x1  }
0x95: {  	v3 =	vmul.f32 $1.442695020e+00, v3;
	_ =	sdelay $0x1  }
0x96: {  	(erf) = vpow2.f32 v3;
	_ =	sdelay $0x5  }
0x97: {  	v3 =	vld [tilespmem:s18+$0x18710];
	_ =	sdelay $0x2  }
0x98: {  	v57 =	vpop (erf)  }
0x99: {  	v2 =	vmul.f32 v57, v2  }
0x9a: {  	[tilespmem:s18+$0x1AA00] =	vst v4  }
0x9b: {  	[tilespmem:s18+$0x19C00] =	vst v2;
	v2 =	vld [tilespmem:s18+$0x19510]  }
0x9c: {  	[tilespmem:s18+$0x1A300] =	vst v57  }
0x9d: {  	v3 =	vld.idx.msk [tilespmem:v3+s5+$0x0], $0xffff;
	_ =	sdelay $0x2  }
0x9e: {  	v59 =	vmul.f32 $5.000000000e-01, v2;
	_ =	sdelay $0x1  }
0x9f: {  	v2 =	vmul.f32 v3, v2;
	v3 =	vsub.f32 $5.000000000e-01, v59;
	_ =	sdelay $0x1  }
0xa0: {  	v2 =	vadd.f32 v3, v2;
	_ =	sdelay $0x1  }
0xa1: {  	v3 =	vmul.f32 v2, v1;
	_ =	sdelay $0x1  }
0xa2: {  	v3 =	vmul.f32 $1.442695020e+00, v3;
	_ =	sdelay $0x1  }
0xa3: {  	(erf) = vpow2.f32 v3;
	_ =	sdelay $0x4  }
0xa4: {  	v58 =	vld [tilespmem:s18+$0x18E10];
	_ =	sdelay $0x3  }
0xa5: {  	v3 =	vpop (erf)  }
0xa6: {  	[tilespmem:s18+$0x1AA10] =	vst v58;
	v2 =	vmul.f32 v3, v2  }
0xa7: {  	[tilespmem:s18+$0x1A310] =	vst v3  }
0xa8: {  	s10 =	sadd.s32 s21, s10;
	[tilespmem:s18+$0x19C10] =	vst v2  }
0xa9: {  	[spmem:s2] =	stream.indirect.scatter.add.f32 [tilespmem:s9], [sflag:$0x3], $0x1, s6, s4, $0xb8;
	[tilespmem:$0x1EF00] =	vst v63  }
0xaa: {  	s10 =	sshrl.u32 s10, $0x3  }
0xab: {  	[spmem:s3] =	stream.indirect.scatter.add.f32 [tilespmem:s12], [sflag:$0x5], $0x1, s6, s4, $0xb8;
	[tilespmem:$0x1EF00] =	vst v63  }
0xac: {  	s18 =	sadd.s32 s7, s10  }
0xad: {  	[tilespmem:s26], [sflag:$0x1] =	stream.linear.gather [hbm4b:s18+s5], $0x320, $0x38;
	[tilespmem:$0x1EF00] =	vst v63  }
0xae: {  	s24 =	sadd.s32 s8, s10  }
0xaf: {  	[tilespmem:s28], [sflag:$0x1] =	stream.linear.gather [hbm4b:s24+s5], $0x320, $0x38;
	[tilespmem:$0x1EF00] =	vst v63  }
0xb0: {  	s10 =	sadd.s32 s1, s10  }
0xb1: {  	[tilespmem:s29], [sflag:$0x1] =	stream.linear.gather [hbm4b:s10+s5], $0x320, $0x38;
	[tilespmem:$0x1EF00] =	vst v63  }
0xb2: {  	s10 =	simm.s32 @!p0 $0x4  }
0xb3: {  	_ =	swait.ge @!p0 [sflag:s10], $0x320  }
0xb4: {  	[sflag:s10] =	ssyncset.done @!p0 $0x0  }
0xb5: {  	[sflag:s10] =	ssyncadd.s32 @!p0 $0xFFFFFCE0;
	s10 =	simm.s32 @!p0 $0x6  }
0xb6: {  	_ =	swait.ge @!p0 [sflag:s10], $0x320  }
0xb7: {  	[sflag:s10] =	ssyncset.done @!p0 $0x0  }
0xb8: {  	[sflag:s10] =	ssyncadd.s32 @!p0 $0xFFFFFCE0  }
0xb9: {  	_ =	swait.ge [sflag:s13], $0x320  }
0xba: {  	[sflag:s13] =	ssyncset.done $0x0  }
0xbb: {  	[sflag:s13] =	ssyncadd.s32 $0xFFFFFCE0  }
0xbc: {  	_ =	swait.ge [sflag:s13], $0x320  }
0xbd: {  	[sflag:s13] =	ssyncset.done $0x0  }
0xbe: {  	[sflag:s13] =	ssyncadd.s32 $0xFFFFFCE0  }
0xbf: {  	_ =	swait.ge [sflag:s13], $0x320  }
0xc0: {  	[sflag:s13] =	ssyncset.done $0x0  }
0xc1: {  	s10 =	simm.s32 $0x0;
	[sflag:s13] =	ssyncadd.s32 $0xFFFFFCE0  }
0xc2: {  	v2 =	vld [tilespmem:s10+$0x18A80];
	_ =	sdelay $0x5  }
0xc3: {  	v3 =	vld [tilespmem:s10+$0x19880];
	_ =	sdelay $0x1  }
0xc4: {  	v2 =	vld.idx.msk [tilespmem:v2+s5+$0x0], $0xffff;
	_ =	sdelay $0x2  }
0xc5: {  	v60 =	vmul.f32 $5.000000000e-01, v3;
	_ =	sdelay $0x1  }
0xc6: {  	v2 =	vmul.f32 v2, v3;
	v3 =	vsub.f32 $5.000000000e-01, v60;
	_ =	sdelay $0x1  }
0xc7: {  	v2 =	vadd.f32 v3, v2;
	_ =	sdelay $0x1  }
0xc8: {  	v3 =	vmul.f32 v2, v1;
	_ =	sdelay $0x1  }
0xc9: {  	v3 =	vmul.f32 $1.442695020e+00, v3;
	_ =	sdelay $0x1  }
0xca: {  	(erf) = vpow2.f32 v3  }
0xcb: {  	v3 =	vld [tilespmem:s10+$0x19180];
	_ =	sdelay $0x4  }
0xcc: {  	[tilespmem:s10+$0x1AD80] =	vst v3;
	v3 =	vld [tilespmem:s10+$0x18A90];
	_ =	sdelay $0x2  }
0xcd: {  	v61 =	vpop (erf)  }
0xce: {  	v2 =	vmul.f32 v61, v2;
	_ =	sdelay $0x1  }
0xcf: {  	[tilespmem:s10+$0x19F80] =	vst v2;
	v2 =	vld [tilespmem:s10+$0x19890]  }
0xd0: {  	[tilespmem:s10+$0x1A680] =	vst v61  }
0xd1: {  	v3 =	vld.idx.msk [tilespmem:v3+s5+$0x0], $0xffff;
	_ =	sdelay $0x2  }
0xd2: {  	v63 =	vmul.f32 $5.000000000e-01, v2;
	_ =	sdelay $0x1  }
0xd3: {  	v2 =	vmul.f32 v3, v2;
	v3 =	vsub.f32 $5.000000000e-01, v63;
	_ =	sdelay $0x1  }
0xd4: {  	v2 =	vadd.f32 v3, v2;
	_ =	sdelay $0x1  }
0xd5: {  	v3 =	vmul.f32 v2, v1;
	_ =	sdelay $0x1  }
0xd6: {  	v3 =	vmul.f32 $1.442695020e+00, v3  }
0xd7: {  	v62 =	vld [tilespmem:s10+$0x19190]  }
0xd8: {  	(erf) = vpow2.f32 v3;
	_ =	sdelay $0x3  }
0xd9: {  	s11 =	simm.s32 $0x100;
	s18 =	simm.s32 $0x20;
	[tilespmem:s10+$0x1AD90] =	vst v62  }
.LBB2_7:
0xda: {  	p0 =	sne.s32 s11, $0xC00;
	v3 =	vld [tilespmem:s18+$0x18A80];
	_ =	sdelay $0x2  }
0xdb: {  	v4 =	vld [tilespmem:s18+$0x19180]  }
0xdc: {  	v5 =	vpop (erf)  }
0xdd: {  	v2 =	vmul.f32 v5, v2;
	[tilespmem:s10+$0x1A690] =	vst v5;
	_ =	sdelay $0x1  }
0xde: {  	v5 =	vld [tilespmem:s18+$0x19880];
	[tilespmem:s10+$0x19F90] =	vst v2;
	s10 =	smov.u32 s18  }
0xdf: {  	v2 =	vld.idx.msk [tilespmem:v3+s5+$0x0], $0xffff;
	[tilespmem:s10+$0x1AD80] =	vst v4;
	_ =	sdelay $0x3  }
0xe0: {  	v3 =	vmul.f32 $5.000000000e-01, v5;
	_ =	sdelay $0x1  }
0xe1: {  	v2 =	vmul.f32 v2, v5;
	v3 =	vsub.f32 $5.000000000e-01, v3;
	_ =	sdelay $0x1  }
0xe2: {  	v2 =	vadd.f32 v3, v2;
	_ =	sdelay $0x1  }
0xe3: {  	v3 =	vmul.f32 v2, v1;
	_ =	sdelay $0x1  }
0xe4: {  	v3 =	vmul.f32 $1.442695020e+00, v3;
	_ =	sdelay $0x1  }
0xe5: {  	(erf) = vpow2.f32 v3;
	_ =	sdelay $0x4  }
0xe6: {  	v3 =	vld [tilespmem:s10+$0x18A90];
	_ =	sdelay $0x2  }
0xe7: {  	v4 =	vld [tilespmem:s10+$0x19190]  }
0xe8: {  	v5 =	vpop (erf)  }
0xe9: {  	v2 =	vmul.f32 v5, v2;
	[tilespmem:s10+$0x1A680] =	vst v5;
	_ =	sdelay $0x1  }
0xea: {  	[tilespmem:s10+$0x19F80] =	vst v2;
	v2 =	vld [tilespmem:s10+$0x19890]  }
0xeb: {  	v3 =	vld.idx.msk [tilespmem:v3+s5+$0x0], $0xffff;
	[tilespmem:s10+$0x1AD90] =	vst v4;
	_ =	sdelay $0x3  }
0xec: {  	v4 =	vmul.f32 $5.000000000e-01, v2;
	_ =	sdelay $0x1  }
0xed: {  	v2 =	vmul.f32 v3, v2;
	v3 =	vsub.f32 $5.000000000e-01, v4;
	_ =	sdelay $0x1  }
0xee: {  	v2 =	vadd.f32 v3, v2;
	_ =	sdelay $0x1  }
0xef: {  	v3 =	vmul.f32 v2, v1;
	_ =	sdelay $0x1  }
0xf0: {  	v3 =	vmul.f32 $1.442695020e+00, v3;
	_ =	sdelay $0x1  }
.Ltmp2:
0xf1: {  	(erf) = vpow2.f32 v3;
	(pc) =	sbr.rel @p0 .LBB2_7-.Ltmp2, $2  }
0xf2: {  	_ =	sdelay $0x2  }
0xf3: {  	s18 =	sshra.s32 s11, $0x2;
	s11 =	sadd.s32 $0x80, s11  }
0xf4: {  	v3 =	vld [tilespmem:s18+$0x18A80];
	_ =	sdelay $0x3  }
0xf5: {  	v5 =	vpop (erf)  }
0xf6: {  	v4 =	vld [tilespmem:s18+$0x19180];
	v2 =	vmul.f32 v5, v2;
	[tilespmem:s10+$0x1A690] =	vst v5  }
0xf7: {  	v5 =	vld [tilespmem:s18+$0x19880]  }
0xf8: {  	[tilespmem:s10+$0x19F90] =	vst v2  }
0xf9: {  	v2 =	vld.idx.msk [tilespmem:v3+s5+$0x0], $0xffff;
	_ =	sdelay $0x2  }
0xfa: {  	v3 =	vmul.f32 $5.000000000e-01, v5;
	_ =	sdelay $0x1  }
0xfb: {  	v2 =	vmul.f32 v2, v5;
	v3 =	vsub.f32 $5.000000000e-01, v3;
	_ =	sdelay $0x1  }
0xfc: {  	v2 =	vadd.f32 v3, v2;
	_ =	sdelay $0x1  }
0xfd: {  	v3 =	vmul.f32 v2, v1;
	_ =	sdelay $0x1  }
0xfe: {  	v3 =	vmul.f32 $1.442695020e+00, v3;
	_ =	sdelay $0x1  }
0xff: {  	(erf) = vpow2.f32 v3;
	_ =	sdelay $0x5  }
0x100: {  	v3 =	vld [tilespmem:s18+$0x18A90];
	_ =	sdelay $0x2  }
0x101: {  	v61 =	vpop (erf)  }
0x102: {  	v2 =	vmul.f32 v61, v2  }
0x103: {  	[tilespmem:s18+$0x1AD80] =	vst v4  }
0x104: {  	[tilespmem:s18+$0x19F80] =	vst v2;
	v2 =	vld [tilespmem:s18+$0x19890]  }
0x105: {  	[tilespmem:s18+$0x1A680] =	vst v61  }
0x106: {  	v3 =	vld.idx.msk [tilespmem:v3+s5+$0x0], $0xffff;
	_ =	sdelay $0x2  }
0x107: {  	v63 =	vmul.f32 $5.000000000e-01, v2;
	_ =	sdelay $0x1  }
0x108: {  	v2 =	vmul.f32 v3, v2;
	v3 =	vsub.f32 $5.000000000e-01, v63;
	_ =	sdelay $0x1  }
0x109: {  	v2 =	vadd.f32 v3, v2;
	_ =	sdelay $0x1  }
0x10a: {  	v3 =	vmul.f32 v2, v1;
	_ =	sdelay $0x1  }
0x10b: {  	v3 =	vmul.f32 $1.442695020e+00, v3;
	_ =	sdelay $0x1  }
0x10c: {  	(erf) = vpow2.f32 v3;
	_ =	sdelay $0x4  }
0x10d: {  	v62 =	vld [tilespmem:s18+$0x19190];
	_ =	sdelay $0x3  }
0x10e: {  	s20 =	sadd.s32 $0x1, s20;
	v3 =	vpop (erf)  }
0x10f: {  	p0 =	sne.s32 s20, $0x3E;
	[tilespmem:s18+$0x1AD90] =	vst v62;
	v2 =	vmul.f32 v3, v2  }
.Ltmp3:
0x110: {  	[tilespmem:s18+$0x1A690] =	vst v3;
	(pc) =	sbr.rel @p0 .LBB2_4-.Ltmp3, $4  }
0x111: {  	[tilespmem:s18+$0x19F90] =	vst v2  }
0x112: {  	[spmem:s2] =	stream.indirect.scatter.add.f32 [tilespmem:s15], [sflag:$0x4], $0x1, s14, s4, $0xb8;
	[tilespmem:$0x1EF00] =	vst v63  }
0x113: {  	_ = 	snop  }
0x114: {  	[spmem:s3] =	stream.indirect.scatter.add.f32 [tilespmem:s16], [sflag:$0x6], $0x1, s14, s4, $0xb8;
	[tilespmem:$0x1EF00] =	vst v63  }
0x115: {  	_ =	swait.ge [sflag:s25], $0x320  }
0x116: {  	[sflag:s25] =	ssyncset.done $0x0  }
0x117: {  	s10 =	simm.s32 $0x5;
	[sflag:s25] =	ssyncadd.s32 $0xFFFFFCE0  }
0x118: {  	_ =	swait.ge [sflag:s10], $0x320  }
0x119: {  	[sflag:s10] =	ssyncset.done $0x0  }
0x11a: {  	[sflag:s10] =	ssyncadd.s32 $0xFFFFFCE0  }
0x11b: {  	_ =	swait.ge [sflag:s22], $0x320  }
0x11c: {  	[sflag:s22] =	ssyncset.done $0x0  }
0x11d: {  	[sflag:s22] =	ssyncadd.s32 $0xFFFFFCE0  }
0x11e: {  	_ =	swait.ge [sflag:s22], $0x320  }
0x11f: {  	[sflag:s22] =	ssyncset.done $0x0  }
0x120: {  	[sflag:s22] =	ssyncadd.s32 $0xFFFFFCE0  }
0x121: {  	_ =	swait.ge [sflag:s22], $0x320  }
0x122: {  	[sflag:s22] =	ssyncset.done $0x0  }
0x123: {  	s10 =	simm.s32 $0x0;
	[sflag:s22] =	ssyncadd.s32 $0xFFFFFCE0  }
0x124: {  	v2 =	vld [tilespmem:s10+$0x18700];
	_ =	sdelay $0x5  }
0x125: {  	v3 =	vld [tilespmem:s10+$0x19500];
	_ =	sdelay $0x1  }
0x126: {  	v2 =	vld.idx.msk [tilespmem:v2+s5+$0x0], $0xffff;
	_ =	sdelay $0x2  }
0x127: {  	v4 =	vmul.f32 $5.000000000e-01, v3;
	_ =	sdelay $0x1  }
0x128: {  	v2 =	vmul.f32 v2, v3;
	v3 =	vsub.f32 $5.000000000e-01, v4;
	_ =	sdelay $0x1  }
0x129: {  	v2 =	vadd.f32 v3, v2;
	_ =	sdelay $0x1  }
0x12a: {  	v3 =	vmul.f32 v2, v1;
	_ =	sdelay $0x1  }
0x12b: {  	v3 =	vmul.f32 $1.442695020e+00, v3;
	_ =	sdelay $0x1  }
0x12c: {  	(erf) = vpow2.f32 v3  }
0x12d: {  	v3 =	vld [tilespmem:s10+$0x18E00];
	_ =	sdelay $0x4  }
0x12e: {  	[tilespmem:s10+$0x1AA00] =	vst v3;
	v3 =	vld [tilespmem:s10+$0x18710];
	_ =	sdelay $0x2  }
0x12f: {  	v62 =	vpop (erf)  }
0x130: {  	v2 =	vmul.f32 v62, v2;
	_ =	sdelay $0x1  }
0x131: {  	[tilespmem:s10+$0x19C00] =	vst v2;
	v2 =	vld [tilespmem:s10+$0x19510]  }
0x132: {  	[tilespmem:s10+$0x1A300] =	vst v62  }
0x133: {  	v3 =	vld.idx.msk [tilespmem:v3+s5+$0x0], $0xffff;
	_ =	sdelay $0x2  }
0x134: {  	v63 =	vmul.f32 $5.000000000e-01, v2;
	_ =	sdelay $0x1  }
0x135: {  	v2 =	vmul.f32 v3, v2;
	v3 =	vsub.f32 $5.000000000e-01, v63;
	_ =	sdelay $0x1  }
0x136: {  	v2 =	vadd.f32 v3, v2;
	_ =	sdelay $0x1  }
0x137: {  	v3 =	vmul.f32 v2, v1;
	_ =	sdelay $0x1  }
0x138: {  	v3 =	vmul.f32 $1.442695020e+00, v3  }
0x139: {  	v5 =	vld [tilespmem:s10+$0x18E10]  }
0x13a: {  	(erf) = vpow2.f32 v3;
	_ =	sdelay $0x3  }
0x13b: {  	s18 =	simm.s32 $0x20;
	s11 =	simm.s32 $0x100;
	[tilespmem:s10+$0x1AA10] =	vst v5  }
.LBB2_10:
0x13c: {  	p0 =	sne.s32 s11, $0xC00;
	v3 =	vld [tilespmem:s18+$0x18700];
	_ =	sdelay $0x2  }
0x13d: {  	v4 =	vld [tilespmem:s18+$0x18E00]  }
0x13e: {  	v5 =	vpop (erf)  }
0x13f: {  	v2 =	vmul.f32 v5, v2;
	[tilespmem:s10+$0x1A310] =	vst v5;
	_ =	sdelay $0x1  }
0x140: {  	v5 =	vld [tilespmem:s18+$0x19500];
	[tilespmem:s10+$0x19C10] =	vst v2;
	s10 =	smov.u32 s18  }
0x141: {  	v2 =	vld.idx.msk [tilespmem:v3+s5+$0x0], $0xffff;
	[tilespmem:s10+$0x1AA00] =	vst v4;
	_ =	sdelay $0x3  }
0x142: {  	v3 =	vmul.f32 $5.000000000e-01, v5;
	_ =	sdelay $0x1  }
0x143: {  	v2 =	vmul.f32 v2, v5;
	v3 =	vsub.f32 $5.000000000e-01, v3;
	_ =	sdelay $0x1  }
0x144: {  	v2 =	vadd.f32 v3, v2;
	_ =	sdelay $0x1  }
0x145: {  	v3 =	vmul.f32 v2, v1;
	_ =	sdelay $0x1  }
0x146: {  	v3 =	vmul.f32 $1.442695020e+00, v3;
	_ =	sdelay $0x1  }
0x147: {  	(erf) = vpow2.f32 v3;
	_ =	sdelay $0x4  }
0x148: {  	v3 =	vld [tilespmem:s10+$0x18710];
	_ =	sdelay $0x2  }
0x149: {  	v4 =	vld [tilespmem:s10+$0x18E10]  }
0x14a: {  	v5 =	vpop (erf)  }
0x14b: {  	v2 =	vmul.f32 v5, v2;
	[tilespmem:s10+$0x1A300] =	vst v5;
	_ =	sdelay $0x1  }
0x14c: {  	[tilespmem:s10+$0x19C00] =	vst v2;
	v2 =	vld [tilespmem:s10+$0x19510]  }
0x14d: {  	v3 =	vld.idx.msk [tilespmem:v3+s5+$0x0], $0xffff;
	[tilespmem:s10+$0x1AA10] =	vst v4;
	_ =	sdelay $0x3  }
0x14e: {  	v4 =	vmul.f32 $5.000000000e-01, v2;
	_ =	sdelay $0x1  }
0x14f: {  	v2 =	vmul.f32 v3, v2;
	v3 =	vsub.f32 $5.000000000e-01, v4;
	_ =	sdelay $0x1  }
0x150: {  	v2 =	vadd.f32 v3, v2;
	_ =	sdelay $0x1  }
0x151: {  	v3 =	vmul.f32 v2, v1;
	_ =	sdelay $0x1  }
0x152: {  	v3 =	vmul.f32 $1.442695020e+00, v3;
	_ =	sdelay $0x1  }
.Ltmp4:
0x153: {  	(erf) = vpow2.f32 v3;
	(pc) =	sbr.rel @p0 .LBB2_10-.Ltmp4, $2  }
0x154: {  	_ =	sdelay $0x2  }
0x155: {  	s18 =	sshra.s32 s11, $0x2;
	s11 =	sadd.s32 $0x80, s11  }
0x156: {  	v3 =	vld [tilespmem:s18+$0x18700];
	_ =	sdelay $0x3  }
0x157: {  	v5 =	vpop (erf)  }
0x158: {  	v4 =	vld [tilespmem:s18+$0x18E00];
	v2 =	vmul.f32 v5, v2;
	[tilespmem:s10+$0x1A310] =	vst v5  }
0x159: {  	v5 =	vld [tilespmem:s18+$0x19500]  }
0x15a: {  	[tilespmem:s10+$0x19C10] =	vst v2  }
0x15b: {  	v2 =	vld.idx.msk [tilespmem:v3+s5+$0x0], $0xffff;
	_ =	sdelay $0x2  }
0x15c: {  	v3 =	vmul.f32 $5.000000000e-01, v5;
	_ =	sdelay $0x1  }
0x15d: {  	v2 =	vmul.f32 v2, v5;
	v3 =	vsub.f32 $5.000000000e-01, v3;
	_ =	sdelay $0x1  }
0x15e: {  	v2 =	vadd.f32 v3, v2;
	_ =	sdelay $0x1  }
0x15f: {  	v3 =	vmul.f32 v2, v1;
	_ =	sdelay $0x1  }
0x160: {  	v3 =	vmul.f32 $1.442695020e+00, v3;
	_ =	sdelay $0x1  }
0x161: {  	(erf) = vpow2.f32 v3;
	_ =	sdelay $0x5  }
0x162: {  	v3 =	vld [tilespmem:s18+$0x18710];
	_ =	sdelay $0x2  }
0x163: {  	v61 =	vpop (erf)  }
0x164: {  	v2 =	vmul.f32 v61, v2  }
0x165: {  	[tilespmem:s18+$0x1AA00] =	vst v4  }
0x166: {  	[tilespmem:s18+$0x19C00] =	vst v2;
	v2 =	vld [tilespmem:s18+$0x19510]  }
0x167: {  	[tilespmem:s18+$0x1A300] =	vst v61  }
0x168: {  	v3 =	vld.idx.msk [tilespmem:v3+s5+$0x0], $0xffff;
	_ =	sdelay $0x2  }
0x169: {  	v63 =	vmul.f32 $5.000000000e-01, v2;
	_ =	sdelay $0x1  }
0x16a: {  	v2 =	vmul.f32 v3, v2;
	v3 =	vsub.f32 $5.000000000e-01, v63;
	_ =	sdelay $0x1  }
0x16b: {  	v2 =	vadd.f32 v3, v2;
	_ =	sdelay $0x1  }
0x16c: {  	v1 =	vmul.f32 v2, v1;
	_ =	sdelay $0x1  }
0x16d: {  	v1 =	vmul.f32 $1.442695020e+00, v1;
	_ =	sdelay $0x1  }
0x16e: {  	(erf) = vpow2.f32 v1;
	_ =	sdelay $0x4  }
0x16f: {  	v62 =	vld [tilespmem:s18+$0x18E10];
	_ =	sdelay $0x3  }
0x170: {  	v1 =	vpop (erf)  }
0x171: {  	[tilespmem:s18+$0x1AA10] =	vst v62;
	v2 =	vmul.f32 v1, v2  }
0x172: {  	[tilespmem:s18+$0x1A310] =	vst v1  }
0x173: {  	[tilespmem:s18+$0x19C10] =	vst v2  }
0x174: {  	[spmem:s2] =	stream.indirect.scatter.add.f32 [tilespmem:s9], [sflag:$0x3], $0x1, s6, s4, $0xb8;
	[tilespmem:$0x1EF00] =	vst v63  }
0x175: {  	s24 =	simm.s32 $0x4  }
0x176: {  	[spmem:s3] =	stream.indirect.scatter.add.f32 [tilespmem:s12], [sflag:$0x5], $0x1, s6, s4, $0xb8;
	[tilespmem:$0x1EF00] =	vst v63  }
0x177: {  	_ =	swait.ge [sflag:s24], $0x320  }
0x178: {  	[sflag:s24] =	ssyncset.done $0x0  }
0x179: {  	s11 =	simm.s32 $0x6;
	[sflag:s24] =	ssyncadd.s32 $0xFFFFFCE0  }
0x17a: {  	_ =	swait.ge [sflag:s11], $0x320  }
0x17b: {  	[sflag:s11] =	ssyncset.done $0x0  }
0x17c: {  	[sflag:s11] =	ssyncadd.s32 $0xFFFFFCE0  }
0x17d: {  	_ =	swait.ge [sflag:s25], $0x320  }
0x17e: {  	[sflag:s25] =	ssyncset.done $0x0  }
0x17f: {  	s18 =	simm.s32 $0x5;
	[sflag:s25] =	ssyncadd.s32 $0xFFFFFCE0  }
0x180: {  	_ =	swait.ge [sflag:s18], $0x320  }
0x181: {  	[sflag:s18] =	ssyncset.done $0x0  }
0x182: {  	[sflag:s18] =	ssyncadd.s32 $0xFFFFFCE0  }
0x183: {  	s20 =	stileid.u32;
	[bflag:$0x0] =	sbarrier.arrive $0xFFFF  }
0x184: {  	s10 =	sshll.u32 s20, $0x6;
	s18 =	rddreg [dreg:$0x7]  }
0x185: {  	s10 =	sor.u32 $0x1C07, s10;
	s20 =	rddreg [dreg:$0xe];
	s11 =	sshrl.u32 s18, $0x3  }
0x186: {  	[hbm:s20], [sflag:s10] =	dma.local [spmem:s11], $0x310  }
0x187: {  	_ =	swait.ge [sflag:s23], $0x310  }
0x188: {  	[sflag:s23] =	ssyncset.done $0x0;
	s20 =	rddreg [dreg:$0x8]  }
0x189: {  	s24 =	rddreg [dreg:$0xf];
	[sflag:s23] =	ssyncadd.s32 $0xFFFFFCF0;
	s11 =	sshrl.u32 s20, $0x3  }
0x18a: {  	[hbm:s24], [sflag:s10] =	dma.local [spmem:s11], $0x310  }
0x18b: {  	_ =	swait.ge [sflag:s23], $0x310  }
0x18c: {  	s19 =	sadd.s32 $0x1, s19;
	s24 =	rddreg [dreg:$0x10]  }
0x18d: {  	p0 =	sne.s32 s19, s24  }
.Ltmp5:
0x18e: {  	_ = 	snop;
	(pc) =	sbr.rel @p0 .LBB2_1-.Ltmp5, $3  }
0x18f: {  	_ =	sdelay $0x1  }
0x190: {  	[sflag:s23] =	ssyncset.done $0x0  }
0x191: {  	[sflag:s23] =	ssyncadd.s32 $0xFFFFFCF0  }
0x192: {  	_ =	sfence.sel $0x180000  }
0x193: {  	[bflag:$0x0] =	sbarrier.arrive $0xFFFF  }
0x194: {  	_ =	strace $0x90000047  }
0x195: {  	s0 =	stileid.u32;
	[bflag:$0x2] =	sbarrier.arrive $0xFFFF  }
0x196: {  	p0 =	sne.s32 s0, $0x0;
	s0 =	rddreg [dreg:$0x4]  }
0x197: {  	s0 =	sadd.s32 @!p0 $0x100000, s0  }
0x198: {  	[sflag:s0] =	ssyncadd.tile.s32 @!p0 $0x1;
	_ =	shalt  }
.Lfunc_end2:
_tile_overlayer_lowered:
.L_overlay_start_2:
0x199: {  	(tag) =	ssettag $0x2  }
0x19a: {  	s0 =	rddreg [dreg:$0x0];
	s2 =	stileid.u32  }
0x19b: {  	s1 =	rddreg [dreg:$0x1];
	p0 =	sne.s32 s2, $0x0  }
0x19c: {  	s3 =	rddreg [dreg:$0x2];
	[bflag:$0x3] =	sbarrier.arrive $0xFFFF;
	s2 =	simm.s32 @!p0 $0x1C07  }
0x19d: {  	[timem:s3], [sflag:s2] =	dma.local @!p0 [hbm:s0], s1  }
0x19e: {  	s0 =	simm.s32 @!p0 $0x7  }
0x19f: {  	_ =	swait.ge @!p0 [sflag:s0], s1  }
0x1a0: {  	s1 =	ssub.s32 @!p0 $0x0, s1;
	[sflag:s0] =	ssyncset.done @!p0 $0x0  }
0x1a1: {  	[sflag:s0] =	ssyncadd.s32 @!p0 s1  }
0x1a2: {  	[bflag:$0x3] =	sbarrier.arrive $0xFFFF  }
0x1a3: {  	_ =	shalt  }

</sc_bundles>
